<compile_context>
chip_gen: v7x
topology: tpu7x:2x2x1
jax: 0.10.2.dev20260603
libtpu: 0.0.44.dev20260713+nightly
codegen_flags: <defaults>
</compile_context>

<pallas_src>
import functools
import jax
import jax.numpy as jnp
from jax import lax
from jax.experimental import pallas as pl
from jax.experimental.pallas import tpu as pltpu
from jax.experimental.pallas import tpu_sc as plsc

_N = 10000
_E = 320000
_D = 128
_P = 3

_NC = 2
_NS = 16
_CH = 64
_DT = 144
_NACC = 10016
_NW = _NC * _NS
_K0 = 168
_K1 = 146
_KMAX = max(_K0, _K1)
_E0 = _NS * _K0 * _CH
_ROWS_PER_SUB = _NACC // _NS
_ZFULL = _ROWS_PER_SUB // _CH
_ZREM = _ROWS_PER_SUB - _ZFULL * _CH


def _sc_segment_sum(table, dst3, src3, zeros_blk):
    mesh = plsc.VectorSubcoreMesh(core_axis_name="c", subcore_axis_name="s")

    @functools.partial(
        pl.kernel,
        out_type=jax.ShapeDtypeStruct((_NC, _NACC, _DT), jnp.float32),
        mesh=mesh,
        scratch_types=[
            pltpu.VMEM((_KMAX, _CH), jnp.int32),
            pltpu.VMEM((_KMAX, _CH), jnp.int32),
            pltpu.VMEM((_CH, _DT), jnp.float32),
            pltpu.VMEM((_CH, _DT), jnp.float32),
            pltpu.SemaphoreType.DMA,
            pltpu.SemaphoreType.DMA,
            pltpu.VMEM_SHARED((_NACC, _DT), jnp.float32),
        ],
        compiler_params=pltpu.CompilerParams(use_tc_tiling_on_sc=False),
    )
    def k(table_hbm, dst_hbm, src_hbm, zero_hbm, out_hbm,
          dst_v, src_v, rows_a, rows_b, sem_a, sem_b, acc):
        c = lax.axis_index("c")
        s = lax.axis_index("s")
        wid = c * _NS + s
        k_me = jnp.where(c == 0, _K0, _K1)
        bufs = (rows_a, rows_b)
        sems = (sem_a, sem_b)

        pltpu.make_async_copy(dst_hbm.at[wid], dst_v, sem_a).start()
        pltpu.make_async_copy(src_hbm.at[wid], src_v, sem_b).start()
        pltpu.sync_copy(zero_hbm, rows_a)
        base = s * _ROWS_PER_SUB
        zcopies = []
        for i in range(_ZFULL):
            zcopies.append(pltpu.make_async_copy(
                rows_a, acc.at[pl.ds(base + i * _CH, _CH)], sem_a))
        if _ZREM:
            zcopies.append(pltpu.make_async_copy(
                rows_a.at[pl.ds(0, _ZREM)],
                acc.at[pl.ds(base + _ZFULL * _CH, _ZREM)], sem_a))
        pltpu.make_async_copy(dst_hbm.at[wid], dst_v, sem_a).wait()
        for zc in zcopies:
            zc.start()
        for zc in zcopies:
            zc.wait()
        pltpu.make_async_copy(src_hbm.at[wid], src_v, sem_b).wait()
        plsc.subcore_barrier()

        pltpu.make_async_copy(table_hbm.at[dst_v.at[0]], rows_a, sem_a).start()

        def body(g, carry):
            for b in range(2):
                j = 2 * g + b
                pltpu.make_async_copy(
                    table_hbm.at[dst_v.at[j]], bufs[b], sems[b]).wait()

                @pl.when(j + 1 < k_me)
                def _():
                    pltpu.make_async_copy(
                        table_hbm.at[dst_v.at[j + 1]],
                        bufs[1 - b], sems[1 - b]).start()

                pltpu.sync_copy(bufs[b], acc.at[src_v.at[j]], add=True)
            return carry

        lax.fori_loop(0, k_me // 2, body, 0)

        plsc.subcore_barrier()
        pltpu.sync_copy(acc.at[pl.ds(s * _ROWS_PER_SUB, _ROWS_PER_SUB)],
                        out_hbm.at[c, pl.ds(s * _ROWS_PER_SUB, _ROWS_PER_SUB)])

    return k(table, dst3, src3, zeros_blk)


_BN = 1024


def _tc_body(part_ref, x_ref, pos_ref, w1_ref, w2_ref, w3_ref, wcat_ref,
             wa1_ref, wa2_ref, bm_ref, ba_ref, out_ref):
    S = part_ref[0] + part_ref[1]
    cnt = S[:, _D + _P:_D + _P + 1]
    inv = 1.0 / jnp.maximum(cnt, 1.0)
    has = (cnt > 0.0).astype(jnp.float32)
    M = S * inv
    xb = x_ref[...]
    self_term = (jnp.dot(xb, w1_ref[...] - w2_ref[...],
                         preferred_element_type=jnp.float32)
                 - jnp.dot(pos_ref[...], w3_ref[...],
                           preferred_element_type=jnp.float32)
                 + bm_ref[...])
    aggr = has * self_term + jnp.dot(M, wcat_ref[...],
                                     preferred_element_type=jnp.float32)
    out_ref[...] = (jnp.dot(xb, wa1_ref[...], preferred_element_type=jnp.float32)
                    + jnp.dot(aggr, wa2_ref[...], preferred_element_type=jnp.float32)
                    + ba_ref[...])


def _tc_update(part, x_p, pos_p, w1, w2, w3p, wcat, wa1, wa2, bm, ba):
    grid = (pl.cdiv(_NACC, _BN),)
    full = lambda shape: pl.BlockSpec(shape, lambda i: (0,) * len(shape))
    return pl.pallas_call(
        _tc_body,
        grid=grid,
        in_specs=[
            pl.BlockSpec((_NC, _BN, _DT), lambda i: (0, i, 0)),
            pl.BlockSpec((_BN, _D), lambda i: (i, 0)),
            pl.BlockSpec((_BN, 8), lambda i: (i, 0)),
            full((_D, _D)), full((_D, _D)), full((8, _D)), full((_DT, _D)),
            full((_D, _D)), full((_D, _D)), full((1, _D)), full((1, _D)),
        ],
        out_specs=pl.BlockSpec((_BN, _D), lambda i: (i, 0)),
        out_shape=jax.ShapeDtypeStruct((_NACC, _D), jnp.float32),
    )(part, x_p, pos_p, w1, w2, w3p, wcat, wa1, wa2, bm, ba)


def kernel(x, edge_index, pos, W_msg, b_msg, W_agg, b_agg):
    src = edge_index[0].astype(jnp.int32)
    dst = edge_index[1].astype(jnp.int32)

    table = jnp.concatenate(
        [x, pos, jnp.ones((_N, 1), jnp.float32),
         jnp.zeros((_N, _DT - _D - _P - 1), jnp.float32)], axis=1)

    def _layout(idx, fill):
        pad1 = _NS * _K1 * _CH - (_E - _E0)
        half0 = idx[:_E0].reshape(_NS, _K0, _CH)
        half1 = jnp.concatenate(
            [idx[_E0:], jnp.full((pad1,), fill, jnp.int32)]).reshape(
            _NS, _K1, _CH)

        def _to_kmax(h, kh):
            if kh == _KMAX:
                return h
            fill_blk = jnp.full((_NS, _KMAX - kh, _CH), fill, jnp.int32)
            return jnp.concatenate([h, fill_blk], axis=1)

        return jnp.concatenate(
            [_to_kmax(half0, _K0), _to_kmax(half1, _K1)], axis=0)

    src3 = _layout(src, _N)
    dst3 = _layout(dst, 0)
    zeros_blk = jnp.zeros((_CH, _DT), jnp.float32)

    part = _sc_segment_sum(table, dst3, src3, zeros_blk)

    x_p = jnp.concatenate([x, jnp.zeros((_NACC - _N, _D), jnp.float32)])
    pos_p = jnp.concatenate(
        [jnp.concatenate([pos, jnp.zeros((_N, 8 - _P), jnp.float32)], axis=1),
         jnp.zeros((_NACC - _N, 8), jnp.float32)])
    w1 = W_msg[:_D]
    w2 = W_msg[_D:2 * _D]
    w3p = jnp.concatenate([W_msg[2 * _D:], jnp.zeros((8 - _P, _D), jnp.float32)])
    wcat = jnp.concatenate(
        [w2, W_msg[2 * _D:], jnp.zeros((_DT - 2 * _D - _P + _D, _D), jnp.float32)])
    wa1 = W_agg[:_D]
    wa2 = W_agg[_D:]
    bm = b_msg.reshape(1, _D)
    ba = b_agg.reshape(1, _D)

    out = _tc_update(part, x_p, pos_p, w1, w2, w3p, wcat, wa1, wa2, bm, ba)
    return out[:_N]

# --- scband reference (transcript-rebuilt; emitter-appended) ---
"""Pipeline reference for scband-mpnndiff-16484084483096 (READ-ONLY COPY).

The authoritative reference and input builder live on the scoring server;
editing this copy changes nothing except your own understanding.
"""

import jax, jax.numpy as jnp
import numpy as np

N = 10000
E = 320000
D = 128
P = 3


def setup_inputs(seed: int = 0) -> dict:
    key = jax.random.key(seed)
    k1, k2, k3, k4, k5 = jax.random.split(key, 5)
    x = jax.random.normal(k1, (N, D), dtype=jnp.float32)
    edge_index = jax.random.randint(k2, (2, E), 0, N, dtype=jnp.int64)
    pos = jax.random.normal(k3, (N, P), dtype=jnp.float32)
    # msg_net: Linear(2*D + P -> D); stored as [in, out] so fwd is inputs @ W + b
    W_msg = jax.random.normal(k4, (2 * D + P, D), dtype=jnp.float32) * 0.02
    b_msg = jnp.zeros((D,), dtype=jnp.float32)
    # aggr_net: Linear(2*D -> D)
    W_agg = jax.random.normal(k5, (2 * D, D), dtype=jnp.float32) * 0.02
    b_agg = jnp.zeros((D,), dtype=jnp.float32)
    return {"x": x, "edge_index": edge_index, "pos": pos,
            "W_msg": W_msg, "b_msg": b_msg, "W_agg": W_agg, "b_agg": b_agg}


def reference(x, edge_index, pos, W_msg, b_msg, W_agg, b_agg):
    # flow='target_to_source': x_i = x[edge_index[0]] (source), x_j = x[edge_index[1]] (target),
    # aggregation (mean) at edge_index[0].
    src = edge_index[0]
    dst = edge_index[1]
    x_i = jnp.take(x, src, axis=0)
    x_j = jnp.take(x, dst, axis=0)
    pos_i = jnp.take(pos, src, axis=0)
    pos_j = jnp.take(pos, dst, axis=0)
    # message (neighbor_loc='position')
    inputs = jnp.concatenate([x_i, x_j - x_i, pos_j - pos_i], axis=1)
    msg = inputs @ W_msg + b_msg
    # mean aggregation over src index
    msg_sum = jax.ops.segment_sum(msg, src, num_segments=N)
    cnt = jax.ops.segment_sum(jnp.ones((E, 1), dtype=x.dtype), src, num_segments=N)
    aggr_out = msg_sum / jnp.maximum(cnt, 1.0)
    # update (self_val=True)
    inp = jnp.concatenate([x, aggr_out], axis=1)
    out = inp @ W_agg + b_agg
    return out

if __name__ == "__main__":
    import jax
    _d = setup_inputs()
    print(jax.jit(kernel)(*tuple(_d.values())))

</pallas_src>

<mosaic_0001>
#map = affine_map<(d0, d1) -> (0, 0)>
#map1 = affine_map<(d0, d1) -> (0, 0, 0)>
module attributes {stable_mosaic.version = 14 : i64} {
  func.func @k(%arg0: i32, %arg1: i32, %arg2: memref<10000x144xf32, #tpu.memory_space<hbm>>, %arg3: memref<32x168x64xi32, #tpu.memory_space<hbm>>, %arg4: memref<32x168x64xi32, #tpu.memory_space<hbm>>, %arg5: memref<64x144xf32, #tpu.memory_space<hbm>>, %arg6: memref<2x10016x144xf32, #tpu.memory_space<hbm>>, %arg7: memref<168x64xi32, #tpu.memory_space<vmem>>, %arg8: memref<168x64xi32, #tpu.memory_space<vmem>>, %arg9: memref<64x144xf32, #tpu.memory_space<vmem>>, %arg10: memref<64x144xf32, #tpu.memory_space<vmem>>, %arg11: memref<!tpu.dma_semaphore, #tpu.memory_space<semaphore_mem>>, %arg12: memref<!tpu.dma_semaphore, #tpu.memory_space<semaphore_mem>>, %arg13: memref<10016x144xf32, #tpu.memory_space<vmem_shared>>) attributes {dimension_semantics = [#tpu.dimension_semantics<core_parallel>, #tpu.dimension_semantics<subcore_parallel>], iteration_bounds = array<i64: 2, 16>, scalar_prefetch = 0 : i64, scratch_operands = 7 : i64, tpu.core_type = #tpu.core_type<sc_vector_subcore>, window_params = [{transform_indices = #map}, {transform_indices = #map1}, {transform_indices = #map1}, {transform_indices = #map}, {transform_indices = #map1}]} {
    %mul3A = arith.constant 16 : i32
    %mul3A_0 = arith.muli %arg0, %mul3A : i32
    %add3A = arith.addi %mul3A_0, %arg1 : i32
    %eq3A = arith.constant 0 : i32
    %eq3A_1 = arith.cmpi eq, %arg0, %eq3A : i32
    %jit3A = arith.constant 168 : i32
    %jit3A_2 = arith.constant 146 : i32
    %select_n3A = arith.select %eq3A_1, %jit3A, %jit3A_2 : i32
    %dma_start3A = arith.constant 0 : i32
    %dma_start3A_3 = arith.constant 0 : i32
    %dma_start3A_4 = tpu.memref_slice %arg3[%add3A, %dma_start3A, %dma_start3A_3] : memref<32x168x64xi32, #tpu.memory_space<hbm>> -> memref<1x168x64xi32, #tpu.memory_space<hbm>>
    %dma_start3A_5 = tpu.memref_squeeze %dma_start3A_4 : memref<1x168x64xi32, #tpu.memory_space<hbm>> -> memref<168x64xi32, #tpu.memory_space<hbm>>
    %dma_start3A_6 = arith.constant 0 : i32
    %dma_start3A_7 = arith.constant 0 : i32
    %dma_start3A_8 = tpu.memref_slice %arg3[%add3A, %dma_start3A_6, %dma_start3A_7] : memref<32x168x64xi32, #tpu.memory_space<hbm>> -> memref<1x168x64xi32, #tpu.memory_space<hbm>>
    %dma_start3A_9 = tpu.memref_squeeze %dma_start3A_8 : memref<1x168x64xi32, #tpu.memory_space<hbm>> -> memref<168x64xi32, #tpu.memory_space<hbm>>
    tpu.enqueue_dma source(%dma_start3A_9 : memref<168x64xi32, #tpu.memory_space<hbm>>) target(%arg7 : memref<168x64xi32, #tpu.memory_space<vmem>>) target_semaphore(%arg11 : memref<!tpu.dma_semaphore, #tpu.memory_space<semaphore_mem>>)
    %dma_start3A_10 = arith.constant 0 : i32
    %dma_start3A_11 = arith.constant 0 : i32
    %dma_start3A_12 = tpu.memref_slice %arg4[%add3A, %dma_start3A_10, %dma_start3A_11] : memref<32x168x64xi32, #tpu.memory_space<hbm>> -> memref<1x168x64xi32, #tpu.memory_space<hbm>>
    %dma_start3A_13 = tpu.memref_squeeze %dma_start3A_12 : memref<1x168x64xi32, #tpu.memory_space<hbm>> -> memref<168x64xi32, #tpu.memory_space<hbm>>
    %dma_start3A_14 = arith.constant 0 : i32
    %dma_start3A_15 = arith.constant 0 : i32
    %dma_start3A_16 = tpu.memref_slice %arg4[%add3A, %dma_start3A_14, %dma_start3A_15] : memref<32x168x64xi32, #tpu.memory_space<hbm>> -> memref<1x168x64xi32, #tpu.memory_space<hbm>>
    %dma_start3A_17 = tpu.memref_squeeze %dma_start3A_16 : memref<1x168x64xi32, #tpu.memory_space<hbm>> -> memref<168x64xi32, #tpu.memory_space<hbm>>
    tpu.enqueue_dma source(%dma_start3A_17 : memref<168x64xi32, #tpu.memory_space<hbm>>) target(%arg8 : memref<168x64xi32, #tpu.memory_space<vmem>>) target_semaphore(%arg12 : memref<!tpu.dma_semaphore, #tpu.memory_space<semaphore_mem>>)
    "tpu.region"() ({
      %run_scoped3A = tpu.sem_alloc : memref<!tpu.dma_semaphore, #tpu.memory_space<semaphore_mem>>
      tpu.enqueue_dma source(%arg5 : memref<64x144xf32, #tpu.memory_space<hbm>>) target(%arg9 : memref<64x144xf32, #tpu.memory_space<vmem>>) target_semaphore(%run_scoped3A : memref<!tpu.dma_semaphore, #tpu.memory_space<semaphore_mem>>)
      tpu.wait_dma2 semaphore(%run_scoped3A : memref<!tpu.dma_semaphore, #tpu.memory_space<semaphore_mem>>) src(%arg5 : memref<64x144xf32, #tpu.memory_space<hbm>>) dst(%arg9 : memref<64x144xf32, #tpu.memory_space<vmem>>)
      tpu.yield
    }) : () -> ()
    %mul3A_18 = arith.constant 626 : i32
    %mul3A_19 = arith.muli %arg1, %mul3A_18 : i32
    %add3A_20 = arith.constant 0 : i32
    %add3A_21 = arith.addi %mul3A_19, %add3A_20 : i32
    %add3A_22 = arith.constant 64 : i32
    %add3A_23 = arith.addi %mul3A_19, %add3A_22 : i32
    %add3A_24 = arith.constant 128 : i32
    %add3A_25 = arith.addi %mul3A_19, %add3A_24 : i32
    %add3A_26 = arith.constant 192 : i32
    %add3A_27 = arith.addi %mul3A_19, %add3A_26 : i32
    %add3A_28 = arith.constant 256 : i32
    %add3A_29 = arith.addi %mul3A_19, %add3A_28 : i32
    %add3A_30 = arith.constant 320 : i32
    %add3A_31 = arith.addi %mul3A_19, %add3A_30 : i32
    %add3A_32 = arith.constant 384 : i32
    %add3A_33 = arith.addi %mul3A_19, %add3A_32 : i32
    %add3A_34 = arith.constant 448 : i32
    %add3A_35 = arith.addi %mul3A_19, %add3A_34 : i32
    %add3A_36 = arith.constant 512 : i32
    %add3A_37 = arith.addi %mul3A_19, %add3A_36 : i32
    %add3A_38 = arith.constant 576 : i32
    %add3A_39 = arith.addi %mul3A_19, %add3A_38 : i32
    %dma_wait3A = arith.constant 0 : i32
    %dma_wait3A_40 = arith.constant 0 : i32
    %dma_wait3A_41 = tpu.memref_slice %arg3[%add3A, %dma_wait3A, %dma_wait3A_40] : memref<32x168x64xi32, #tpu.memory_space<hbm>> -> memref<1x168x64xi32, #tpu.memory_space<hbm>>
    %dma_wait3A_42 = tpu.memref_squeeze %dma_wait3A_41 : memref<1x168x64xi32, #tpu.memory_space<hbm>> -> memref<168x64xi32, #tpu.memory_space<hbm>>
    %dma_wait3A_43 = arith.constant 0 : i32
    %dma_wait3A_44 = arith.constant 0 : i32
    %dma_wait3A_45 = tpu.memref_slice %arg3[%add3A, %dma_wait3A_43, %dma_wait3A_44] : memref<32x168x64xi32, #tpu.memory_space<hbm>> -> memref<1x168x64xi32, #tpu.memory_space<hbm>>
    %dma_wait3A_46 = tpu.memref_squeeze %dma_wait3A_45 : memref<1x168x64xi32, #tpu.memory_space<hbm>> -> memref<168x64xi32, #tpu.memory_space<hbm>>
    tpu.wait_dma2 semaphore(%arg11 : memref<!tpu.dma_semaphore, #tpu.memory_space<semaphore_mem>>) src(%dma_wait3A_46 : memref<168x64xi32, #tpu.memory_space<hbm>>) dst(%arg7 : memref<168x64xi32, #tpu.memory_space<vmem>>)
    %dma_start3A_47 = arith.constant 0 : i32
    %dma_start3A_48 = tpu.memref_slice %arg13[%add3A_21, %dma_start3A_47] : memref<10016x144xf32, #tpu.memory_space<vmem_shared>> -> memref<64x144xf32, #tpu.memory_space<vmem_shared>>
    %dma_start3A_49 = arith.constant 0 : i32
    %dma_start3A_50 = tpu.memref_slice %arg13[%add3A_21, %dma_start3A_49] : memref<10016x144xf32, #tpu.memory_space<vmem_shared>> -> memref<64x144xf32, #tpu.memory_space<vmem_shared>>
    tpu.enqueue_dma source(%arg9 : memref<64x144xf32, #tpu.memory_space<vmem>>) target(%dma_start3A_50 : memref<64x144xf32, #tpu.memory_space<vmem_shared>>) target_semaphore(%arg11 : memref<!tpu.dma_semaphore, #tpu.memory_space<semaphore_mem>>)
    %dma_start3A_51 = arith.constant 0 : i32
    %dma_start3A_52 = tpu.memref_slice %arg13[%add3A_23, %dma_start3A_51] : memref<10016x144xf32, #tpu.memory_space<vmem_shared>> -> memref<64x144xf32, #tpu.memory_space<vmem_shared>>
    %dma_start3A_53 = arith.constant 0 : i32
    %dma_start3A_54 = tpu.memref_slice %arg13[%add3A_23, %dma_start3A_53] : memref<10016x144xf32, #tpu.memory_space<vmem_shared>> -> memref<64x144xf32, #tpu.memory_space<vmem_shared>>
    tpu.enqueue_dma source(%arg9 : memref<64x144xf32, #tpu.memory_space<vmem>>) target(%dma_start3A_54 : memref<64x144xf32, #tpu.memory_space<vmem_shared>>) target_semaphore(%arg11 : memref<!tpu.dma_semaphore, #tpu.memory_space<semaphore_mem>>)
    %dma_start3A_55 = arith.constant 0 : i32
    %dma_start3A_56 = tpu.memref_slice %arg13[%add3A_25, %dma_start3A_55] : memref<10016x144xf32, #tpu.memory_space<vmem_shared>> -> memref<64x144xf32, #tpu.memory_space<vmem_shared>>
    %dma_start3A_57 = arith.constant 0 : i32
    %dma_start3A_58 = tpu.memref_slice %arg13[%add3A_25, %dma_start3A_57] : memref<10016x144xf32, #tpu.memory_space<vmem_shared>> -> memref<64x144xf32, #tpu.memory_space<vmem_shared>>
    tpu.enqueue_dma source(%arg9 : memref<64x144xf32, #tpu.memory_space<vmem>>) target(%dma_start3A_58 : memref<64x144xf32, #tpu.memory_space<vmem_shared>>) target_semaphore(%arg11 : memref<!tpu.dma_semaphore, #tpu.memory_space<semaphore_mem>>)
    %dma_start3A_59 = arith.constant 0 : i32
    %dma_start3A_60 = tpu.memref_slice %arg13[%add3A_27, %dma_start3A_59] : memref<10016x144xf32, #tpu.memory_space<vmem_shared>> -> memref<64x144xf32, #tpu.memory_space<vmem_shared>>
    %dma_start3A_61 = arith.constant 0 : i32
    %dma_start3A_62 = tpu.memref_slice %arg13[%add3A_27, %dma_start3A_61] : memref<10016x144xf32, #tpu.memory_space<vmem_shared>> -> memref<64x144xf32, #tpu.memory_space<vmem_shared>>
    tpu.enqueue_dma source(%arg9 : memref<64x144xf32, #tpu.memory_space<vmem>>) target(%dma_start3A_62 : memref<64x144xf32, #tpu.memory_space<vmem_shared>>) target_semaphore(%arg11 : memref<!tpu.dma_semaphore, #tpu.memory_space<semaphore_mem>>)
    %dma_start3A_63 = arith.constant 0 : i32
    %dma_start3A_64 = tpu.memref_slice %arg13[%add3A_29, %dma_start3A_63] : memref<10016x144xf32, #tpu.memory_space<vmem_shared>> -> memref<64x144xf32, #tpu.memory_space<vmem_shared>>
    %dma_start3A_65 = arith.constant 0 : i32
    %dma_start3A_66 = tpu.memref_slice %arg13[%add3A_29, %dma_start3A_65] : memref<10016x144xf32, #tpu.memory_space<vmem_shared>> -> memref<64x144xf32, #tpu.memory_space<vmem_shared>>
    tpu.enqueue_dma source(%arg9 : memref<64x144xf32, #tpu.memory_space<vmem>>) target(%dma_start3A_66 : memref<64x144xf32, #tpu.memory_space<vmem_shared>>) target_semaphore(%arg11 : memref<!tpu.dma_semaphore, #tpu.memory_space<semaphore_mem>>)
    %dma_start3A_67 = arith.constant 0 : i32
    %dma_start3A_68 = tpu.memref_slice %arg13[%add3A_31, %dma_start3A_67] : memref<10016x144xf32, #tpu.memory_space<vmem_shared>> -> memref<64x144xf32, #tpu.memory_space<vmem_shared>>
    %dma_start3A_69 = arith.constant 0 : i32
    %dma_start3A_70 = tpu.memref_slice %arg13[%add3A_31, %dma_start3A_69] : memref<10016x144xf32, #tpu.memory_space<vmem_shared>> -> memref<64x144xf32, #tpu.memory_space<vmem_shared>>
    tpu.enqueue_dma source(%arg9 : memref<64x144xf32, #tpu.memory_space<vmem>>) target(%dma_start3A_70 : memref<64x144xf32, #tpu.memory_space<vmem_shared>>) target_semaphore(%arg11 : memref<!tpu.dma_semaphore, #tpu.memory_space<semaphore_mem>>)
    %dma_start3A_71 = arith.constant 0 : i32
    %dma_start3A_72 = tpu.memref_slice %arg13[%add3A_33, %dma_start3A_71] : memref<10016x144xf32, #tpu.memory_space<vmem_shared>> -> memref<64x144xf32, #tpu.memory_space<vmem_shared>>
    %dma_start3A_73 = arith.constant 0 : i32
    %dma_start3A_74 = tpu.memref_slice %arg13[%add3A_33, %dma_start3A_73] : memref<10016x144xf32, #tpu.memory_space<vmem_shared>> -> memref<64x144xf32, #tpu.memory_space<vmem_shared>>
    tpu.enqueue_dma source(%arg9 : memref<64x144xf32, #tpu.memory_space<vmem>>) target(%dma_start3A_74 : memref<64x144xf32, #tpu.memory_space<vmem_shared>>) target_semaphore(%arg11 : memref<!tpu.dma_semaphore, #tpu.memory_space<semaphore_mem>>)
    %dma_start3A_75 = arith.constant 0 : i32
    %dma_start3A_76 = tpu.memref_slice %arg13[%add3A_35, %dma_start3A_75] : memref<10016x144xf32, #tpu.memory_space<vmem_shared>> -> memref<64x144xf32, #tpu.memory_space<vmem_shared>>
    %dma_start3A_77 = arith.constant 0 : i32
    %dma_start3A_78 = tpu.memref_slice %arg13[%add3A_35, %dma_start3A_77] : memref<10016x144xf32, #tpu.memory_space<vmem_shared>> -> memref<64x144xf32, #tpu.memory_space<vmem_shared>>
    tpu.enqueue_dma source(%arg9 : memref<64x144xf32, #tpu.memory_space<vmem>>) target(%dma_start3A_78 : memref<64x144xf32, #tpu.memory_space<vmem_shared>>) target_semaphore(%arg11 : memref<!tpu.dma_semaphore, #tpu.memory_space<semaphore_mem>>)
    %dma_start3A_79 = arith.constant 0 : i32
    %dma_start3A_80 = tpu.memref_slice %arg13[%add3A_37, %dma_start3A_79] : memref<10016x144xf32, #tpu.memory_space<vmem_shared>> -> memref<64x144xf32, #tpu.memory_space<vmem_shared>>
    %dma_start3A_81 = arith.constant 0 : i32
    %dma_start3A_82 = tpu.memref_slice %arg13[%add3A_37, %dma_start3A_81] : memref<10016x144xf32, #tpu.memory_space<vmem_shared>> -> memref<64x144xf32, #tpu.memory_space<vmem_shared>>
    tpu.enqueue_dma source(%arg9 : memref<64x144xf32, #tpu.memory_space<vmem>>) target(%dma_start3A_82 : memref<64x144xf32, #tpu.memory_space<vmem_shared>>) target_semaphore(%arg11 : memref<!tpu.dma_semaphore, #tpu.memory_space<semaphore_mem>>)
    %dma_start3A_83 = arith.constant 0 : i32
    %dma_start3A_84 = arith.constant 0 : i32
    %dma_start3A_85 = tpu.memref_slice %arg9[%dma_start3A_83, %dma_start3A_84] : memref<64x144xf32, #tpu.memory_space<vmem>> -> memref<50x144xf32, #tpu.memory_space<vmem>>
    %dma_start3A_86 = arith.constant 0 : i32
    %dma_start3A_87 = tpu.memref_slice %arg13[%add3A_39, %dma_start3A_86] : memref<10016x144xf32, #tpu.memory_space<vmem_shared>> -> memref<50x144xf32, #tpu.memory_space<vmem_shared>>
    %dma_start3A_88 = arith.constant 0 : i32
    %dma_start3A_89 = tpu.memref_slice %arg13[%add3A_39, %dma_start3A_88] : memref<10016x144xf32, #tpu.memory_space<vmem_shared>> -> memref<50x144xf32, #tpu.memory_space<vmem_shared>>
    %dma_start3A_90 = arith.constant 0 : i32
    %dma_start3A_91 = arith.constant 0 : i32
    %dma_start3A_92 = tpu.memref_slice %arg9[%dma_start3A_90, %dma_start3A_91] : memref<64x144xf32, #tpu.memory_space<vmem>> -> memref<50x144xf32, #tpu.memory_space<vmem>>
    tpu.enqueue_dma source(%dma_start3A_92 : memref<50x144xf32, #tpu.memory_space<vmem>>) target(%dma_start3A_89 : memref<50x144xf32, #tpu.memory_space<vmem_shared>>) target_semaphore(%arg11 : memref<!tpu.dma_semaphore, #tpu.memory_space<semaphore_mem>>)
    %dma_wait3A_93 = arith.constant 0 : i32
    %dma_wait3A_94 = tpu.memref_slice %arg13[%add3A_21, %dma_wait3A_93] : memref<10016x144xf32, #tpu.memory_space<vmem_shared>> -> memref<64x144xf32, #tpu.memory_space<vmem_shared>>
    %dma_wait3A_95 = arith.constant 0 : i32
    %dma_wait3A_96 = tpu.memref_slice %arg13[%add3A_21, %dma_wait3A_95] : memref<10016x144xf32, #tpu.memory_space<vmem_shared>> -> memref<64x144xf32, #tpu.memory_space<vmem_shared>>
    tpu.wait_dma2 semaphore(%arg11 : memref<!tpu.dma_semaphore, #tpu.memory_space<semaphore_mem>>) src(%arg9 : memref<64x144xf32, #tpu.memory_space<vmem>>) dst(%dma_wait3A_96 : memref<64x144xf32, #tpu.memory_space<vmem_shared>>)
    %dma_wait3A_97 = arith.constant 0 : i32
    %dma_wait3A_98 = tpu.memref_slice %arg13[%add3A_23, %dma_wait3A_97] : memref<10016x144xf32, #tpu.memory_space<vmem_shared>> -> memref<64x144xf32, #tpu.memory_space<vmem_shared>>
    %dma_wait3A_99 = arith.constant 0 : i32
    %dma_wait3A_100 = tpu.memref_slice %arg13[%add3A_23, %dma_wait3A_99] : memref<10016x144xf32, #tpu.memory_space<vmem_shared>> -> memref<64x144xf32, #tpu.memory_space<vmem_shared>>
    tpu.wait_dma2 semaphore(%arg11 : memref<!tpu.dma_semaphore, #tpu.memory_space<semaphore_mem>>) src(%arg9 : memref<64x144xf32, #tpu.memory_space<vmem>>) dst(%dma_wait3A_100 : memref<64x144xf32, #tpu.memory_space<vmem_shared>>)
    %dma_wait3A_101 = arith.constant 0 : i32
    %dma_wait3A_102 = tpu.memref_slice %arg13[%add3A_25, %dma_wait3A_101] : memref<10016x144xf32, #tpu.memory_space<vmem_shared>> -> memref<64x144xf32, #tpu.memory_space<vmem_shared>>
    %dma_wait3A_103 = arith.constant 0 : i32
    %dma_wait3A_104 = tpu.memref_slice %arg13[%add3A_25, %dma_wait3A_103] : memref<10016x144xf32, #tpu.memory_space<vmem_shared>> -> memref<64x144xf32, #tpu.memory_space<vmem_shared>>
    tpu.wait_dma2 semaphore(%arg11 : memref<!tpu.dma_semaphore, #tpu.memory_space<semaphore_mem>>) src(%arg9 : memref<64x144xf32, #tpu.memory_space<vmem>>) dst(%dma_wait3A_104 : memref<64x144xf32, #tpu.memory_space<vmem_shared>>)
    %dma_wait3A_105 = arith.constant 0 : i32
    %dma_wait3A_106 = tpu.memref_slice %arg13[%add3A_27, %dma_wait3A_105] : memref<10016x144xf32, #tpu.memory_space<vmem_shared>> -> memref<64x144xf32, #tpu.memory_space<vmem_shared>>
    %dma_wait3A_107 = arith.constant 0 : i32
    %dma_wait3A_108 = tpu.memref_slice %arg13[%add3A_27, %dma_wait3A_107] : memref<10016x144xf32, #tpu.memory_space<vmem_shared>> -> memref<64x144xf32, #tpu.memory_space<vmem_shared>>
    tpu.wait_dma2 semaphore(%arg11 : memref<!tpu.dma_semaphore, #tpu.memory_space<semaphore_mem>>) src(%arg9 : memref<64x144xf32, #tpu.memory_space<vmem>>) dst(%dma_wait3A_108 : memref<64x144xf32, #tpu.memory_space<vmem_shared>>)
    %dma_wait3A_109 = arith.constant 0 : i32
    %dma_wait3A_110 = tpu.memref_slice %arg13[%add3A_29, %dma_wait3A_109] : memref<10016x144xf32, #tpu.memory_space<vmem_shared>> -> memref<64x144xf32, #tpu.memory_space<vmem_shared>>
    %dma_wait3A_111 = arith.constant 0 : i32
    %dma_wait3A_112 = tpu.memref_slice %arg13[%add3A_29, %dma_wait3A_111] : memref<10016x144xf32, #tpu.memory_space<vmem_shared>> -> memref<64x144xf32, #tpu.memory_space<vmem_shared>>
    tpu.wait_dma2 semaphore(%arg11 : memref<!tpu.dma_semaphore, #tpu.memory_space<semaphore_mem>>) src(%arg9 : memref<64x144xf32, #tpu.memory_space<vmem>>) dst(%dma_wait3A_112 : memref<64x144xf32, #tpu.memory_space<vmem_shared>>)
    %dma_wait3A_113 = arith.constant 0 : i32
    %dma_wait3A_114 = tpu.memref_slice %arg13[%add3A_31, %dma_wait3A_113] : memref<10016x144xf32, #tpu.memory_space<vmem_shared>> -> memref<64x144xf32, #tpu.memory_space<vmem_shared>>
    %dma_wait3A_115 = arith.constant 0 : i32
    %dma_wait3A_116 = tpu.memref_slice %arg13[%add3A_31, %dma_wait3A_115] : memref<10016x144xf32, #tpu.memory_space<vmem_shared>> -> memref<64x144xf32, #tpu.memory_space<vmem_shared>>
    tpu.wait_dma2 semaphore(%arg11 : memref<!tpu.dma_semaphore, #tpu.memory_space<semaphore_mem>>) src(%arg9 : memref<64x144xf32, #tpu.memory_space<vmem>>) dst(%dma_wait3A_116 : memref<64x144xf32, #tpu.memory_space<vmem_shared>>)
    %dma_wait3A_117 = arith.constant 0 : i32
    %dma_wait3A_118 = tpu.memref_slice %arg13[%add3A_33, %dma_wait3A_117] : memref<10016x144xf32, #tpu.memory_space<vmem_shared>> -> memref<64x144xf32, #tpu.memory_space<vmem_shared>>
    %dma_wait3A_119 = arith.constant 0 : i32
    %dma_wait3A_120 = tpu.memref_slice %arg13[%add3A_33, %dma_wait3A_119] : memref<10016x144xf32, #tpu.memory_space<vmem_shared>> -> memref<64x144xf32, #tpu.memory_space<vmem_shared>>
    tpu.wait_dma2 semaphore(%arg11 : memref<!tpu.dma_semaphore, #tpu.memory_space<semaphore_mem>>) src(%arg9 : memref<64x144xf32, #tpu.memory_space<vmem>>) dst(%dma_wait3A_120 : memref<64x144xf32, #tpu.memory_space<vmem_shared>>)
    %dma_wait3A_121 = arith.constant 0 : i32
    %dma_wait3A_122 = tpu.memref_slice %arg13[%add3A_35, %dma_wait3A_121] : memref<10016x144xf32, #tpu.memory_space<vmem_shared>> -> memref<64x144xf32, #tpu.memory_space<vmem_shared>>
    %dma_wait3A_123 = arith.constant 0 : i32
    %dma_wait3A_124 = tpu.memref_slice %arg13[%add3A_35, %dma_wait3A_123] : memref<10016x144xf32, #tpu.memory_space<vmem_shared>> -> memref<64x144xf32, #tpu.memory_space<vmem_shared>>
    tpu.wait_dma2 semaphore(%arg11 : memref<!tpu.dma_semaphore, #tpu.memory_space<semaphore_mem>>) src(%arg9 : memref<64x144xf32, #tpu.memory_space<vmem>>) dst(%dma_wait3A_124 : memref<64x144xf32, #tpu.memory_space<vmem_shared>>)
    %dma_wait3A_125 = arith.constant 0 : i32
    %dma_wait3A_126 = tpu.memref_slice %arg13[%add3A_37, %dma_wait3A_125] : memref<10016x144xf32, #tpu.memory_space<vmem_shared>> -> memref<64x144xf32, #tpu.memory_space<vmem_shared>>
    %dma_wait3A_127 = arith.constant 0 : i32
    %dma_wait3A_128 = tpu.memref_slice %arg13[%add3A_37, %dma_wait3A_127] : memref<10016x144xf32, #tpu.memory_space<vmem_shared>> -> memref<64x144xf32, #tpu.memory_space<vmem_shared>>
    tpu.wait_dma2 semaphore(%arg11 : memref<!tpu.dma_semaphore, #tpu.memory_space<semaphore_mem>>) src(%arg9 : memref<64x144xf32, #tpu.memory_space<vmem>>) dst(%dma_wait3A_128 : memref<64x144xf32, #tpu.memory_space<vmem_shared>>)
    %dma_wait3A_129 = arith.constant 0 : i32
    %dma_wait3A_130 = arith.constant 0 : i32
    %dma_wait3A_131 = tpu.memref_slice %arg9[%dma_wait3A_129, %dma_wait3A_130] : memref<64x144xf32, #tpu.memory_space<vmem>> -> memref<50x144xf32, #tpu.memory_space<vmem>>
    %dma_wait3A_132 = arith.constant 0 : i32
    %dma_wait3A_133 = tpu.memref_slice %arg13[%add3A_39, %dma_wait3A_132] : memref<10016x144xf32, #tpu.memory_space<vmem_shared>> -> memref<50x144xf32, #tpu.memory_space<vmem_shared>>
    %dma_wait3A_134 = arith.constant 0 : i32
    %dma_wait3A_135 = tpu.memref_slice %arg13[%add3A_39, %dma_wait3A_134] : memref<10016x144xf32, #tpu.memory_space<vmem_shared>> -> memref<50x144xf32, #tpu.memory_space<vmem_shared>>
    %dma_wait3A_136 = arith.constant 0 : i32
    %dma_wait3A_137 = arith.constant 0 : i32
    %dma_wait3A_138 = tpu.memref_slice %arg9[%dma_wait3A_136, %dma_wait3A_137] : memref<64x144xf32, #tpu.memory_space<vmem>> -> memref<50x144xf32, #tpu.memory_space<vmem>>
    tpu.wait_dma2 semaphore(%arg11 : memref<!tpu.dma_semaphore, #tpu.memory_space<semaphore_mem>>) src(%dma_wait3A_138 : memref<50x144xf32, #tpu.memory_space<vmem>>) dst(%dma_wait3A_135 : memref<50x144xf32, #tpu.memory_space<vmem_shared>>)
    %dma_wait3A_139 = arith.constant 0 : i32
    %dma_wait3A_140 = arith.constant 0 : i32
    %dma_wait3A_141 = tpu.memref_slice %arg4[%add3A, %dma_wait3A_139, %dma_wait3A_140] : memref<32x168x64xi32, #tpu.memory_space<hbm>> -> memref<1x168x64xi32, #tpu.memory_space<hbm>>
    %dma_wait3A_142 = tpu.memref_squeeze %dma_wait3A_141 : memref<1x168x64xi32, #tpu.memory_space<hbm>> -> memref<168x64xi32, #tpu.memory_space<hbm>>
    %dma_wait3A_143 = arith.constant 0 : i32
    %dma_wait3A_144 = arith.constant 0 : i32
    %dma_wait3A_145 = tpu.memref_slice %arg4[%add3A, %dma_wait3A_143, %dma_wait3A_144] : memref<32x168x64xi32, #tpu.memory_space<hbm>> -> memref<1x168x64xi32, #tpu.memory_space<hbm>>
    %dma_wait3A_146 = tpu.memref_squeeze %dma_wait3A_145 : memref<1x168x64xi32, #tpu.memory_space<hbm>> -> memref<168x64xi32, #tpu.memory_space<hbm>>
    tpu.wait_dma2 semaphore(%arg12 : memref<!tpu.dma_semaphore, #tpu.memory_space<semaphore_mem>>) src(%dma_wait3A_146 : memref<168x64xi32, #tpu.memory_space<hbm>>) dst(%arg8 : memref<168x64xi32, #tpu.memory_space<vmem>>)
    %barrier3A = arith.constant 0 : index
    tpu.barrier barrier_id(%barrier3A)
    %dma_start3A_147 = arith.constant 0 : i32
    %dma_start3A_148 = arith.constant 0 : i32
    %dma_start3A_149 = tpu.memref_slice %arg7[%dma_start3A_147, %dma_start3A_148] : memref<168x64xi32, #tpu.memory_space<vmem>> -> memref<1x64xi32, #tpu.memory_space<vmem>>
    %dma_start3A_150 = tpu.memref_squeeze %dma_start3A_149 : memref<1x64xi32, #tpu.memory_space<vmem>> -> memref<64xi32, #tpu.memory_space<vmem>>
    %dma_start3A_151 = arith.constant 0 : i32
    %dma_start3A_152 = arith.constant 0 : i32
    %dma_start3A_153 = tpu.memref_slice %arg2[%dma_start3A_151, %dma_start3A_152] : memref<10000x144xf32, #tpu.memory_space<hbm>> -> memref<10000x144xf32, #tpu.memory_space<hbm>>
    tpu.enqueue_indirect_dma source(%dma_start3A_153 : memref<10000x144xf32, #tpu.memory_space<hbm>>) target(%arg9 : memref<64x144xf32, #tpu.memory_space<vmem>>) offsets(%dma_start3A_150 : memref<64xi32, #tpu.memory_space<vmem>>) semaphore(%arg11 : memref<!tpu.dma_semaphore, #tpu.memory_space<semaphore_mem>>)
    %jit3A_154 = arith.constant 2 : i32
    %div3A = arith.divsi %select_n3A, %jit3A_154 : i32
    %sign3A = arith.constant 0 : i32
    %sign3A_155 = arith.cmpi sgt, %select_n3A, %sign3A : i32
    %sign3A_156 = arith.extui %sign3A_155 : i1 to i32
    %sign3A_157 = arith.constant 0 : i32
    %sign3A_158 = arith.cmpi slt, %select_n3A, %sign3A_157 : i32
    %sign3A_159 = arith.extui %sign3A_158 : i1 to i32
    %sign3A_160 = arith.subi %sign3A_156, %sign3A_159 : i32
    %sign3A_161 = arith.constant 0 : i32
    %sign3A_162 = arith.cmpi sgt, %jit3A_154, %sign3A_161 : i32
    %sign3A_163 = arith.extui %sign3A_162 : i1 to i32
    %sign3A_164 = arith.constant 0 : i32
    %sign3A_165 = arith.cmpi slt, %jit3A_154, %sign3A_164 : i32
    %sign3A_166 = arith.extui %sign3A_165 : i1 to i32
    %sign3A_167 = arith.subi %sign3A_163, %sign3A_166 : i32
    %ne3A = arith.cmpi ne, %sign3A_160, %sign3A_167 : i32
    %rem3A = arith.remsi %select_n3A, %jit3A_154 : i32
    %ne3A_168 = arith.constant 0 : i32
    %ne3A_169 = arith.cmpi ne, %rem3A, %ne3A_168 : i32
    %and3A = arith.andi %ne3A, %ne3A_169 : i1
    %sub3A = arith.constant 1 : i32
    %sub3A_170 = arith.subi %div3A, %sub3A : i32
    %select_n3A_171 = arith.select %and3A, %sub3A_170, %div3A : i32
    %while3A = arith.constant 0 : i32
    %while3A_172 = arith.constant 0 : i32
    %while3A_173 = arith.subi %select_n3A_171, %while3A_172 : i32
    %while3A_174 = arith.addi %while3A_172, %while3A_173 : i32
    %while3A_175 = arith.constant 1 : i32
    %while3A_176 = arith.divsi %while3A_173, %while3A_175 : i32
    %while3A_177 = arith.muli %while3A_176, %while3A_175 : i32
    %while3A_178 = arith.addi %while3A_172, %while3A_177 : i32
    %while3A_179 = arith.constant 1 : i32
    scf.for %while3A_186 = %while3A_172 to %while3A_178 step %while3A_179  : i32 {
      %mul3A_187 = arith.constant 2 : i32
      %mul3A_188 = arith.muli %mul3A_187, %while3A_186 : i32
      %add3A_189 = arith.constant 0 : i32
      %add3A_190 = arith.addi %mul3A_188, %add3A_189 : i32
      %dma_wait3A_191 = arith.constant 0 : i32
      %dma_wait3A_192 = tpu.memref_slice %arg7[%add3A_190, %dma_wait3A_191] : memref<168x64xi32, #tpu.memory_space<vmem>> -> memref<1x64xi32, #tpu.memory_space<vmem>>
      %dma_wait3A_193 = tpu.memref_squeeze %dma_wait3A_192 : memref<1x64xi32, #tpu.memory_space<vmem>> -> memref<64xi32, #tpu.memory_space<vmem>>
      %dma_wait3A_194 = arith.constant 0 : i32
      %dma_wait3A_195 = arith.constant 0 : i32
      %dma_wait3A_196 = tpu.memref_slice %arg2[%dma_wait3A_194, %dma_wait3A_195] : memref<10000x144xf32, #tpu.memory_space<hbm>> -> memref<10000x144xf32, #tpu.memory_space<hbm>>
      tpu.wait_indirect_dma semaphore(%arg11 : memref<!tpu.dma_semaphore, #tpu.memory_space<semaphore_mem>>) src(%dma_wait3A_196 : memref<10000x144xf32, #tpu.memory_space<hbm>>) dst(%arg9 : memref<64x144xf32, #tpu.memory_space<vmem>>)
      %add3A_197 = arith.constant 1 : i32
      %add3A_198 = arith.addi %add3A_190, %add3A_197 : i32
      %lt3A = arith.cmpi slt, %add3A_198, %select_n3A : i32
      %convert_element_type3A = arith.extui %lt3A : i1 to i32
      %cond3A = arith.constant 0 : i32
      %cond3A_199 = arith.cmpi ne, %convert_element_type3A, %cond3A : i32
      scf.if %cond3A_199 {
        %add3A_216 = arith.constant 1 : i32
        %add3A_217 = arith.addi %add3A_190, %add3A_216 : i32
        %dma_start3A_218 = arith.constant 0 : i32
        %dma_start3A_219 = tpu.memref_slice %arg7[%add3A_217, %dma_start3A_218] : memref<168x64xi32, #tpu.memory_space<vmem>> -> memref<1x64xi32, #tpu.memory_space<vmem>>
        %dma_start3A_220 = tpu.memref_squeeze %dma_start3A_219 : memref<1x64xi32, #tpu.memory_space<vmem>> -> memref<64xi32, #tpu.memory_space<vmem>>
        %dma_start3A_221 = arith.constant 0 : i32
        %dma_start3A_222 = arith.constant 0 : i32
        %dma_start3A_223 = tpu.memref_slice %arg2[%dma_start3A_221, %dma_start3A_222] : memref<10000x144xf32, #tpu.memory_space<hbm>> -> memref<10000x144xf32, #tpu.memory_space<hbm>>
        tpu.enqueue_indirect_dma source(%dma_start3A_223 : memref<10000x144xf32, #tpu.memory_space<hbm>>) target(%arg10 : memref<64x144xf32, #tpu.memory_space<vmem>>) offsets(%dma_start3A_220 : memref<64xi32, #tpu.memory_space<vmem>>) semaphore(%arg12 : memref<!tpu.dma_semaphore, #tpu.memory_space<semaphore_mem>>)
      } else {
      }
      "tpu.region"() ({
        %run_scoped3A = tpu.sem_alloc : memref<!tpu.dma_semaphore, #tpu.memory_space<semaphore_mem>>
        %dma_start3A_216 = arith.constant 0 : i32
        %dma_start3A_217 = tpu.memref_slice %arg8[%add3A_190, %dma_start3A_216] : memref<168x64xi32, #tpu.memory_space<vmem>> -> memref<1x64xi32, #tpu.memory_space<vmem>>
        %dma_start3A_218 = tpu.memref_squeeze %dma_start3A_217 : memref<1x64xi32, #tpu.memory_space<vmem>> -> memref<64xi32, #tpu.memory_space<vmem>>
        %dma_start3A_219 = arith.constant 0 : i32
        %dma_start3A_220 = arith.constant 0 : i32
        %dma_start3A_221 = tpu.memref_slice %arg13[%dma_start3A_219, %dma_start3A_220] : memref<10016x144xf32, #tpu.memory_space<vmem_shared>> -> memref<10016x144xf32, #tpu.memory_space<vmem_shared>>
        tpu.enqueue_indirect_dma source(%arg9 : memref<64x144xf32, #tpu.memory_space<vmem>>) target(%dma_start3A_221 : memref<10016x144xf32, #tpu.memory_space<vmem_shared>>) offsets(%dma_start3A_218 : memref<64xi32, #tpu.memory_space<vmem>>) semaphore(%run_scoped3A : memref<!tpu.dma_semaphore, #tpu.memory_space<semaphore_mem>>) {add = true}
        %dma_wait3A_222 = arith.constant 0 : i32
        %dma_wait3A_223 = tpu.memref_slice %arg8[%add3A_190, %dma_wait3A_222] : memref<168x64xi32, #tpu.memory_space<vmem>> -> memref<1x64xi32, #tpu.memory_space<vmem>>
        %dma_wait3A_224 = tpu.memref_squeeze %dma_wait3A_223 : memref<1x64xi32, #tpu.memory_space<vmem>> -> memref<64xi32, #tpu.memory_space<vmem>>
        %dma_wait3A_225 = arith.constant 0 : i32
        %dma_wait3A_226 = arith.constant 0 : i32
        %dma_wait3A_227 = tpu.memref_slice %arg13[%dma_wait3A_225, %dma_wait3A_226] : memref<10016x144xf32, #tpu.memory_space<vmem_shared>> -> memref<10016x144xf32, #tpu.memory_space<vmem_shared>>
        tpu.wait_indirect_dma semaphore(%run_scoped3A : memref<!tpu.dma_semaphore, #tpu.memory_space<semaphore_mem>>) src(%arg9 : memref<64x144xf32, #tpu.memory_space<vmem>>) dst(%dma_wait3A_227 : memref<10016x144xf32, #tpu.memory_space<vmem_shared>>)
        tpu.yield
      }) : () -> ()
      %mul3A_200 = arith.constant 2 : i32
      %mul3A_201 = arith.muli %mul3A_200, %while3A_186 : i32
      %add3A_202 = arith.constant 1 : i32
      %add3A_203 = arith.addi %mul3A_201, %add3A_202 : i32
      %dma_wait3A_204 = arith.constant 0 : i32
      %dma_wait3A_205 = tpu.memref_slice %arg7[%add3A_203, %dma_wait3A_204] : memref<168x64xi32, #tpu.memory_space<vmem>> -> memref<1x64xi32, #tpu.memory_space<vmem>>
      %dma_wait3A_206 = tpu.memref_squeeze %dma_wait3A_205 : memref<1x64xi32, #tpu.memory_space<vmem>> -> memref<64xi32, #tpu.memory_space<vmem>>
      %dma_wait3A_207 = arith.constant 0 : i32
      %dma_wait3A_208 = arith.constant 0 : i32
      %dma_wait3A_209 = tpu.memref_slice %arg2[%dma_wait3A_207, %dma_wait3A_208] : memref<10000x144xf32, #tpu.memory_space<hbm>> -> memref<10000x144xf32, #tpu.memory_space<hbm>>
      tpu.wait_indirect_dma semaphore(%arg12 : memref<!tpu.dma_semaphore, #tpu.memory_space<semaphore_mem>>) src(%dma_wait3A_209 : memref<10000x144xf32, #tpu.memory_space<hbm>>) dst(%arg10 : memref<64x144xf32, #tpu.memory_space<vmem>>)
      %add3A_210 = arith.constant 1 : i32
      %add3A_211 = arith.addi %add3A_203, %add3A_210 : i32
      %lt3A_212 = arith.cmpi slt, %add3A_211, %select_n3A : i32
      %convert_element_type3A_213 = arith.extui %lt3A_212 : i1 to i32
      %cond3A_214 = arith.constant 0 : i32
      %cond3A_215 = arith.cmpi ne, %convert_element_type3A_213, %cond3A_214 : i32
      scf.if %cond3A_215 {
        %add3A_216 = arith.constant 1 : i32
        %add3A_217 = arith.addi %add3A_203, %add3A_216 : i32
        %dma_start3A_218 = arith.constant 0 : i32
        %dma_start3A_219 = tpu.memref_slice %arg7[%add3A_217, %dma_start3A_218] : memref<168x64xi32, #tpu.memory_space<vmem>> -> memref<1x64xi32, #tpu.memory_space<vmem>>
        %dma_start3A_220 = tpu.memref_squeeze %dma_start3A_219 : memref<1x64xi32, #tpu.memory_space<vmem>> -> memref<64xi32, #tpu.memory_space<vmem>>
        %dma_start3A_221 = arith.constant 0 : i32
        %dma_start3A_222 = arith.constant 0 : i32
        %dma_start3A_223 = tpu.memref_slice %arg2[%dma_start3A_221, %dma_start3A_222] : memref<10000x144xf32, #tpu.memory_space<hbm>> -> memref<10000x144xf32, #tpu.memory_space<hbm>>
        tpu.enqueue_indirect_dma source(%dma_start3A_223 : memref<10000x144xf32, #tpu.memory_space<hbm>>) target(%arg9 : memref<64x144xf32, #tpu.memory_space<vmem>>) offsets(%dma_start3A_220 : memref<64xi32, #tpu.memory_space<vmem>>) semaphore(%arg11 : memref<!tpu.dma_semaphore, #tpu.memory_space<semaphore_mem>>)
      } else {
      }
      "tpu.region"() ({
        %run_scoped3A = tpu.sem_alloc : memref<!tpu.dma_semaphore, #tpu.memory_space<semaphore_mem>>
        %dma_start3A_216 = arith.constant 0 : i32
        %dma_start3A_217 = tpu.memref_slice %arg8[%add3A_203, %dma_start3A_216] : memref<168x64xi32, #tpu.memory_space<vmem>> -> memref<1x64xi32, #tpu.memory_space<vmem>>
        %dma_start3A_218 = tpu.memref_squeeze %dma_start3A_217 : memref<1x64xi32, #tpu.memory_space<vmem>> -> memref<64xi32, #tpu.memory_space<vmem>>
        %dma_start3A_219 = arith.constant 0 : i32
        %dma_start3A_220 = arith.constant 0 : i32
        %dma_start3A_221 = tpu.memref_slice %arg13[%dma_start3A_219, %dma_start3A_220] : memref<10016x144xf32, #tpu.memory_space<vmem_shared>> -> memref<10016x144xf32, #tpu.memory_space<vmem_shared>>
        tpu.enqueue_indirect_dma source(%arg10 : memref<64x144xf32, #tpu.memory_space<vmem>>) target(%dma_start3A_221 : memref<10016x144xf32, #tpu.memory_space<vmem_shared>>) offsets(%dma_start3A_218 : memref<64xi32, #tpu.memory_space<vmem>>) semaphore(%run_scoped3A : memref<!tpu.dma_semaphore, #tpu.memory_space<semaphore_mem>>) {add = true}
        %dma_wait3A_222 = arith.constant 0 : i32
        %dma_wait3A_223 = tpu.memref_slice %arg8[%add3A_203, %dma_wait3A_222] : memref<168x64xi32, #tpu.memory_space<vmem>> -> memref<1x64xi32, #tpu.memory_space<vmem>>
        %dma_wait3A_224 = tpu.memref_squeeze %dma_wait3A_223 : memref<1x64xi32, #tpu.memory_space<vmem>> -> memref<64xi32, #tpu.memory_space<vmem>>
        %dma_wait3A_225 = arith.constant 0 : i32
        %dma_wait3A_226 = arith.constant 0 : i32
        %dma_wait3A_227 = tpu.memref_slice %arg13[%dma_wait3A_225, %dma_wait3A_226] : memref<10016x144xf32, #tpu.memory_space<vmem_shared>> -> memref<10016x144xf32, #tpu.memory_space<vmem_shared>>
        tpu.wait_indirect_dma semaphore(%run_scoped3A : memref<!tpu.dma_semaphore, #tpu.memory_space<semaphore_mem>>) src(%arg10 : memref<64x144xf32, #tpu.memory_space<vmem>>) dst(%dma_wait3A_227 : memref<10016x144xf32, #tpu.memory_space<vmem_shared>>)
        tpu.yield
      }) : () -> ()
    }
    %while3A_180 = arith.constant 1 : i32
    scf.for %while3A_186 = %while3A_178 to %while3A_174 step %while3A_180  : i32 {
      %mul3A_187 = arith.constant 2 : i32
      %mul3A_188 = arith.muli %mul3A_187, %while3A_186 : i32
      %add3A_189 = arith.constant 0 : i32
      %add3A_190 = arith.addi %mul3A_188, %add3A_189 : i32
      %dma_wait3A_191 = arith.constant 0 : i32
      %dma_wait3A_192 = tpu.memref_slice %arg7[%add3A_190, %dma_wait3A_191] : memref<168x64xi32, #tpu.memory_space<vmem>> -> memref<1x64xi32, #tpu.memory_space<vmem>>
      %dma_wait3A_193 = tpu.memref_squeeze %dma_wait3A_192 : memref<1x64xi32, #tpu.memory_space<vmem>> -> memref<64xi32, #tpu.memory_space<vmem>>
      %dma_wait3A_194 = arith.constant 0 : i32
      %dma_wait3A_195 = arith.constant 0 : i32
      %dma_wait3A_196 = tpu.memref_slice %arg2[%dma_wait3A_194, %dma_wait3A_195] : memref<10000x144xf32, #tpu.memory_space<hbm>> -> memref<10000x144xf32, #tpu.memory_space<hbm>>
      tpu.wait_indirect_dma semaphore(%arg11 : memref<!tpu.dma_semaphore, #tpu.memory_space<semaphore_mem>>) src(%dma_wait3A_196 : memref<10000x144xf32, #tpu.memory_space<hbm>>) dst(%arg9 : memref<64x144xf32, #tpu.memory_space<vmem>>)
      %add3A_197 = arith.constant 1 : i32
      %add3A_198 = arith.addi %add3A_190, %add3A_197 : i32
      %lt3A = arith.cmpi slt, %add3A_198, %select_n3A : i32
      %convert_element_type3A = arith.extui %lt3A : i1 to i32
      %cond3A = arith.constant 0 : i32
      %cond3A_199 = arith.cmpi ne, %convert_element_type3A, %cond3A : i32
      scf.if %cond3A_199 {
        %add3A_216 = arith.constant 1 : i32
        %add3A_217 = arith.addi %add3A_190, %add3A_216 : i32
        %dma_start3A_218 = arith.constant 0 : i32
        %dma_start3A_219 = tpu.memref_slice %arg7[%add3A_217, %dma_start3A_218] : memref<168x64xi32, #tpu.memory_space<vmem>> -> memref<1x64xi32, #tpu.memory_space<vmem>>
        %dma_start3A_220 = tpu.memref_squeeze %dma_start3A_219 : memref<1x64xi32, #tpu.memory_space<vmem>> -> memref<64xi32, #tpu.memory_space<vmem>>
        %dma_start3A_221 = arith.constant 0 : i32
        %dma_start3A_222 = arith.constant 0 : i32
        %dma_start3A_223 = tpu.memref_slice %arg2[%dma_start3A_221, %dma_start3A_222] : memref<10000x144xf32, #tpu.memory_space<hbm>> -> memref<10000x144xf32, #tpu.memory_space<hbm>>
        tpu.enqueue_indirect_dma source(%dma_start3A_223 : memref<10000x144xf32, #tpu.memory_space<hbm>>) target(%arg10 : memref<64x144xf32, #tpu.memory_space<vmem>>) offsets(%dma_start3A_220 : memref<64xi32, #tpu.memory_space<vmem>>) semaphore(%arg12 : memref<!tpu.dma_semaphore, #tpu.memory_space<semaphore_mem>>)
      } else {
      }
      "tpu.region"() ({
        %run_scoped3A = tpu.sem_alloc : memref<!tpu.dma_semaphore, #tpu.memory_space<semaphore_mem>>
        %dma_start3A_216 = arith.constant 0 : i32
        %dma_start3A_217 = tpu.memref_slice %arg8[%add3A_190, %dma_start3A_216] : memref<168x64xi32, #tpu.memory_space<vmem>> -> memref<1x64xi32, #tpu.memory_space<vmem>>
        %dma_start3A_218 = tpu.memref_squeeze %dma_start3A_217 : memref<1x64xi32, #tpu.memory_space<vmem>> -> memref<64xi32, #tpu.memory_space<vmem>>
        %dma_start3A_219 = arith.constant 0 : i32
        %dma_start3A_220 = arith.constant 0 : i32
        %dma_start3A_221 = tpu.memref_slice %arg13[%dma_start3A_219, %dma_start3A_220] : memref<10016x144xf32, #tpu.memory_space<vmem_shared>> -> memref<10016x144xf32, #tpu.memory_space<vmem_shared>>
        tpu.enqueue_indirect_dma source(%arg9 : memref<64x144xf32, #tpu.memory_space<vmem>>) target(%dma_start3A_221 : memref<10016x144xf32, #tpu.memory_space<vmem_shared>>) offsets(%dma_start3A_218 : memref<64xi32, #tpu.memory_space<vmem>>) semaphore(%run_scoped3A : memref<!tpu.dma_semaphore, #tpu.memory_space<semaphore_mem>>) {add = true}
        %dma_wait3A_222 = arith.constant 0 : i32
        %dma_wait3A_223 = tpu.memref_slice %arg8[%add3A_190, %dma_wait3A_222] : memref<168x64xi32, #tpu.memory_space<vmem>> -> memref<1x64xi32, #tpu.memory_space<vmem>>
        %dma_wait3A_224 = tpu.memref_squeeze %dma_wait3A_223 : memref<1x64xi32, #tpu.memory_space<vmem>> -> memref<64xi32, #tpu.memory_space<vmem>>
        %dma_wait3A_225 = arith.constant 0 : i32
        %dma_wait3A_226 = arith.constant 0 : i32
        %dma_wait3A_227 = tpu.memref_slice %arg13[%dma_wait3A_225, %dma_wait3A_226] : memref<10016x144xf32, #tpu.memory_space<vmem_shared>> -> memref<10016x144xf32, #tpu.memory_space<vmem_shared>>
        tpu.wait_indirect_dma semaphore(%run_scoped3A : memref<!tpu.dma_semaphore, #tpu.memory_space<semaphore_mem>>) src(%arg9 : memref<64x144xf32, #tpu.memory_space<vmem>>) dst(%dma_wait3A_227 : memref<10016x144xf32, #tpu.memory_space<vmem_shared>>)
        tpu.yield
      }) : () -> ()
      %mul3A_200 = arith.constant 2 : i32
      %mul3A_201 = arith.muli %mul3A_200, %while3A_186 : i32
      %add3A_202 = arith.constant 1 : i32
      %add3A_203 = arith.addi %mul3A_201, %add3A_202 : i32
      %dma_wait3A_204 = arith.constant 0 : i32
      %dma_wait3A_205 = tpu.memref_slice %arg7[%add3A_203, %dma_wait3A_204] : memref<168x64xi32, #tpu.memory_space<vmem>> -> memref<1x64xi32, #tpu.memory_space<vmem>>
      %dma_wait3A_206 = tpu.memref_squeeze %dma_wait3A_205 : memref<1x64xi32, #tpu.memory_space<vmem>> -> memref<64xi32, #tpu.memory_space<vmem>>
      %dma_wait3A_207 = arith.constant 0 : i32
      %dma_wait3A_208 = arith.constant 0 : i32
      %dma_wait3A_209 = tpu.memref_slice %arg2[%dma_wait3A_207, %dma_wait3A_208] : memref<10000x144xf32, #tpu.memory_space<hbm>> -> memref<10000x144xf32, #tpu.memory_space<hbm>>
      tpu.wait_indirect_dma semaphore(%arg12 : memref<!tpu.dma_semaphore, #tpu.memory_space<semaphore_mem>>) src(%dma_wait3A_209 : memref<10000x144xf32, #tpu.memory_space<hbm>>) dst(%arg10 : memref<64x144xf32, #tpu.memory_space<vmem>>)
      %add3A_210 = arith.constant 1 : i32
      %add3A_211 = arith.addi %add3A_203, %add3A_210 : i32
      %lt3A_212 = arith.cmpi slt, %add3A_211, %select_n3A : i32
      %convert_element_type3A_213 = arith.extui %lt3A_212 : i1 to i32
      %cond3A_214 = arith.constant 0 : i32
      %cond3A_215 = arith.cmpi ne, %convert_element_type3A_213, %cond3A_214 : i32
      scf.if %cond3A_215 {
        %add3A_216 = arith.constant 1 : i32
        %add3A_217 = arith.addi %add3A_203, %add3A_216 : i32
        %dma_start3A_218 = arith.constant 0 : i32
        %dma_start3A_219 = tpu.memref_slice %arg7[%add3A_217, %dma_start3A_218] : memref<168x64xi32, #tpu.memory_space<vmem>> -> memref<1x64xi32, #tpu.memory_space<vmem>>
        %dma_start3A_220 = tpu.memref_squeeze %dma_start3A_219 : memref<1x64xi32, #tpu.memory_space<vmem>> -> memref<64xi32, #tpu.memory_space<vmem>>
        %dma_start3A_221 = arith.constant 0 : i32
        %dma_start3A_222 = arith.constant 0 : i32
        %dma_start3A_223 = tpu.memref_slice %arg2[%dma_start3A_221, %dma_start3A_222] : memref<10000x144xf32, #tpu.memory_space<hbm>> -> memref<10000x144xf32, #tpu.memory_space<hbm>>
        tpu.enqueue_indirect_dma source(%dma_start3A_223 : memref<10000x144xf32, #tpu.memory_space<hbm>>) target(%arg9 : memref<64x144xf32, #tpu.memory_space<vmem>>) offsets(%dma_start3A_220 : memref<64xi32, #tpu.memory_space<vmem>>) semaphore(%arg11 : memref<!tpu.dma_semaphore, #tpu.memory_space<semaphore_mem>>)
      } else {
      }
      "tpu.region"() ({
        %run_scoped3A = tpu.sem_alloc : memref<!tpu.dma_semaphore, #tpu.memory_space<semaphore_mem>>
        %dma_start3A_216 = arith.constant 0 : i32
        %dma_start3A_217 = tpu.memref_slice %arg8[%add3A_203, %dma_start3A_216] : memref<168x64xi32, #tpu.memory_space<vmem>> -> memref<1x64xi32, #tpu.memory_space<vmem>>
        %dma_start3A_218 = tpu.memref_squeeze %dma_start3A_217 : memref<1x64xi32, #tpu.memory_space<vmem>> -> memref<64xi32, #tpu.memory_space<vmem>>
        %dma_start3A_219 = arith.constant 0 : i32
        %dma_start3A_220 = arith.constant 0 : i32
        %dma_start3A_221 = tpu.memref_slice %arg13[%dma_start3A_219, %dma_start3A_220] : memref<10016x144xf32, #tpu.memory_space<vmem_shared>> -> memref<10016x144xf32, #tpu.memory_space<vmem_shared>>
        tpu.enqueue_indirect_dma source(%arg10 : memref<64x144xf32, #tpu.memory_space<vmem>>) target(%dma_start3A_221 : memref<10016x144xf32, #tpu.memory_space<vmem_shared>>) offsets(%dma_start3A_218 : memref<64xi32, #tpu.memory_space<vmem>>) semaphore(%run_scoped3A : memref<!tpu.dma_semaphore, #tpu.memory_space<semaphore_mem>>) {add = true}
        %dma_wait3A_222 = arith.constant 0 : i32
        %dma_wait3A_223 = tpu.memref_slice %arg8[%add3A_203, %dma_wait3A_222] : memref<168x64xi32, #tpu.memory_space<vmem>> -> memref<1x64xi32, #tpu.memory_space<vmem>>
        %dma_wait3A_224 = tpu.memref_squeeze %dma_wait3A_223 : memref<1x64xi32, #tpu.memory_space<vmem>> -> memref<64xi32, #tpu.memory_space<vmem>>
        %dma_wait3A_225 = arith.constant 0 : i32
        %dma_wait3A_226 = arith.constant 0 : i32
        %dma_wait3A_227 = tpu.memref_slice %arg13[%dma_wait3A_225, %dma_wait3A_226] : memref<10016x144xf32, #tpu.memory_space<vmem_shared>> -> memref<10016x144xf32, #tpu.memory_space<vmem_shared>>
        tpu.wait_indirect_dma semaphore(%run_scoped3A : memref<!tpu.dma_semaphore, #tpu.memory_space<semaphore_mem>>) src(%arg10 : memref<64x144xf32, #tpu.memory_space<vmem>>) dst(%dma_wait3A_227 : memref<10016x144xf32, #tpu.memory_space<vmem_shared>>)
        tpu.yield
      }) : () -> ()
    }
    %barrier3A_181 = arith.constant 0 : index
    tpu.barrier barrier_id(%barrier3A_181)
    %mul3A_182 = arith.constant 626 : i32
    %mul3A_183 = arith.muli %arg1, %mul3A_182 : i32
    %mul3A_184 = arith.constant 626 : i32
    %mul3A_185 = arith.muli %arg1, %mul3A_184 : i32
    "tpu.region"() ({
      %run_scoped3A = tpu.sem_alloc : memref<!tpu.dma_semaphore, #tpu.memory_space<semaphore_mem>>
      %dma_start3A_186 = arith.constant 0 : i32
      %dma_start3A_187 = tpu.memref_slice %arg6[%arg0, %mul3A_185, %dma_start3A_186] : memref<2x10016x144xf32, #tpu.memory_space<hbm>> -> memref<1x626x144xf32, #tpu.memory_space<hbm>>
      %dma_start3A_188 = tpu.memref_squeeze %dma_start3A_187 : memref<1x626x144xf32, #tpu.memory_space<hbm>> -> memref<626x144xf32, #tpu.memory_space<hbm>>
      %dma_start3A_189 = arith.constant 0 : i32
      %dma_start3A_190 = tpu.memref_slice %arg13[%mul3A_183, %dma_start3A_189] : memref<10016x144xf32, #tpu.memory_space<vmem_shared>> -> memref<626x144xf32, #tpu.memory_space<vmem_shared>>
      tpu.enqueue_dma source(%dma_start3A_190 : memref<626x144xf32, #tpu.memory_space<vmem_shared>>) target(%dma_start3A_188 : memref<626x144xf32, #tpu.memory_space<hbm>>) target_semaphore(%run_scoped3A : memref<!tpu.dma_semaphore, #tpu.memory_space<semaphore_mem>>)
      %dma_wait3A_191 = arith.constant 0 : i32
      %dma_wait3A_192 = tpu.memref_slice %arg6[%arg0, %mul3A_185, %dma_wait3A_191] : memref<2x10016x144xf32, #tpu.memory_space<hbm>> -> memref<1x626x144xf32, #tpu.memory_space<hbm>>
      %dma_wait3A_193 = tpu.memref_squeeze %dma_wait3A_192 : memref<1x626x144xf32, #tpu.memory_space<hbm>> -> memref<626x144xf32, #tpu.memory_space<hbm>>
      %dma_wait3A_194 = arith.constant 0 : i32
      %dma_wait3A_195 = tpu.memref_slice %arg13[%mul3A_183, %dma_wait3A_194] : memref<10016x144xf32, #tpu.memory_space<vmem_shared>> -> memref<626x144xf32, #tpu.memory_space<vmem_shared>>
      tpu.wait_dma2 semaphore(%run_scoped3A : memref<!tpu.dma_semaphore, #tpu.memory_space<semaphore_mem>>) src(%dma_wait3A_195 : memref<626x144xf32, #tpu.memory_space<vmem_shared>>) dst(%dma_wait3A_193 : memref<626x144xf32, #tpu.memory_space<hbm>>)
      tpu.yield
    }) : () -> ()
    return
  }
}

module attributes {stable_mosaic.version = 14 : i64} {
  func.func @_tc_body(%arg0: i32, %arg1: memref<2x1024x144xf32, #tpu.memory_space<vmem>>, %arg2: memref<1024x128xf32, #tpu.memory_space<vmem>>, %arg3: memref<1024x8xf32, #tpu.memory_space<vmem>>, %arg4: memref<128x128xf32, #tpu.memory_space<vmem>>, %arg5: memref<128x128xf32, #tpu.memory_space<vmem>>, %arg6: memref<8x128xf32, #tpu.memory_space<vmem>>, %arg7: memref<144x128xf32, #tpu.memory_space<vmem>>, %arg8: memref<128x128xf32, #tpu.memory_space<vmem>>, %arg9: memref<128x128xf32, #tpu.memory_space<vmem>>, %arg10: memref<1x128xf32, #tpu.memory_space<vmem>>, %arg11: memref<1x128xf32, #tpu.memory_space<vmem>>, %arg12: memref<1024x128xf32, #tpu.memory_space<vmem>>) attributes {dimension_semantics = [#tpu.dimension_semantics<arbitrary>], iteration_bounds = array<i64: 10>, scalar_prefetch = 0 : i64, scratch_operands = 0 : i64, tpu.core_type = #tpu.core_type<tc>, window_params = [{transform_indices = @transform_0, window_bounds = array<i64: 2, 1024, 144>}, {transform_indices = @transform_1, window_bounds = array<i64: 1024, 128>}, {transform_indices = @transform_2, window_bounds = array<i64: 1024, 8>}, {pipeline_mode = #tpu.pipeline_mode<synchronous>, transform_indices = @transform_3, window_bounds = array<i64: 128, 128>}, {pipeline_mode = #tpu.pipeline_mode<synchronous>, transform_indices = @transform_4, window_bounds = array<i64: 128, 128>}, {pipeline_mode = #tpu.pipeline_mode<synchronous>, transform_indices = @transform_5, window_bounds = array<i64: 8, 128>}, {pipeline_mode = #tpu.pipeline_mode<synchronous>, transform_indices = @transform_6, window_bounds = array<i64: 144, 128>}, {pipeline_mode = #tpu.pipeline_mode<synchronous>, transform_indices = @transform_7, window_bounds = array<i64: 128, 128>}, {pipeline_mode = #tpu.pipeline_mode<synchronous>, transform_indices = @transform_8, window_bounds = array<i64: 128, 128>}, {pipeline_mode = #tpu.pipeline_mode<synchronous>, transform_indices = @transform_9, window_bounds = array<i64: 1, 128>}, {pipeline_mode = #tpu.pipeline_mode<synchronous>, transform_indices = @transform_10, window_bounds = array<i64: 1, 128>}, {transform_indices = @transform_11, window_bounds = array<i64: 1024, 128>}]} {
    %get3A = arith.constant 0 : index
    %get3A_0 = arith.constant 0 : index
    %get3A_1 = arith.constant 0 : index
    %get3A_2 = vector.load %arg1[%get3A, %get3A_0, %get3A_1] : memref<2x1024x144xf32, #tpu.memory_space<vmem>>, vector<1x1024x144xf32>
    %get3A_3 = vector.shape_cast %get3A_2 : vector<1x1024x144xf32> to vector<1024x144xf32>
    %get3A_4 = arith.constant 1 : index
    %get3A_5 = arith.constant 0 : index
    %get3A_6 = arith.constant 0 : index
    %get3A_7 = vector.load %arg1[%get3A_4, %get3A_5, %get3A_6] : memref<2x1024x144xf32, #tpu.memory_space<vmem>>, vector<1x1024x144xf32>
    %get3A_8 = vector.shape_cast %get3A_7 : vector<1x1024x144xf32> to vector<1024x144xf32>
    %add3A = arith.addf %get3A_3, %get3A_8 : vector<1024x144xf32>
    %slice3A = vector.extract_strided_slice %add3A {offsets = [0, 131], sizes = [1024, 1], strides = [1, 1]} : vector<1024x144xf32> to vector<1024x1xf32>
    %max3A = arith.constant 1.000000e+00 : f32
    %max3A_9 = vector.broadcast %max3A : f32 to vector<1024x1xf32>
    %max3A_10 = arith.maximumf %slice3A, %max3A_9 : vector<1024x1xf32>
    %div3A = arith.constant 1.000000e+00 : f32
    %div3A_11 = vector.broadcast %div3A : f32 to vector<1024x1xf32>
    %div3A_12 = arith.divf %div3A_11, %max3A_10 : vector<1024x1xf32>
    %gt3A = arith.constant 0.000000e+00 : f32
    %gt3A_13 = vector.broadcast %gt3A : f32 to vector<1024x1xf32>
    %gt3A_14 = arith.cmpf ogt, %slice3A, %gt3A_13 : vector<1024x1xf32>
    %convert_element_type3A = arith.extui %gt3A_14 : vector<1024x1xi1> to vector<1024x1xi32>
    %convert_element_type3A_15 = arith.sitofp %convert_element_type3A : vector<1024x1xi32> to vector<1024x1xf32>
    %mul3A = vector.broadcast %div3A_12 : vector<1024x1xf32> to vector<1024x144xf32>
    %mul3A_16 = arith.mulf %add3A, %mul3A : vector<1024x144xf32>
    %get3A_17 = arith.constant 0 : index
    %get3A_18 = arith.constant 0 : index
    %get3A_19 = vector.load %arg2[%get3A_17, %get3A_18] : memref<1024x128xf32, #tpu.memory_space<vmem>>, vector<1024x128xf32>
    %get3A_20 = arith.constant 0 : index
    %get3A_21 = arith.constant 0 : index
    %get3A_22 = vector.load %arg4[%get3A_20, %get3A_21] : memref<128x128xf32, #tpu.memory_space<vmem>>, vector<128x128xf32>
    %get3A_23 = arith.constant 0 : index
    %get3A_24 = arith.constant 0 : index
    %get3A_25 = vector.load %arg5[%get3A_23, %get3A_24] : memref<128x128xf32, #tpu.memory_space<vmem>>, vector<128x128xf32>
    %sub3A = arith.subf %get3A_22, %get3A_25 : vector<128x128xf32>
    %dot_general3A = arith.constant dense<0.000000e+00> : vector<1024x128xf32>
    %dot_general3A_26 = tpu.matmul %get3A_19, %sub3A, %dot_general3A {dimension_numbers = #tpu.dot_dimension_numbers<[1], [0], [0], [1], [0, 0, 1, 1], [], []>, transpose_lhs_hint = false} : vector<1024x128xf32>, vector<128x128xf32>, vector<1024x128xf32> -> vector<1024x128xf32>
    %get3A_27 = arith.constant 0 : index
    %get3A_28 = arith.constant 0 : index
    %get3A_29 = vector.load %arg3[%get3A_27, %get3A_28] : memref<1024x8xf32, #tpu.memory_space<vmem>>, vector<1024x8xf32>
    %get3A_30 = arith.constant 0 : index
    %get3A_31 = arith.constant 0 : index
    %get3A_32 = vector.load %arg6[%get3A_30, %get3A_31] : memref<8x128xf32, #tpu.memory_space<vmem>>, vector<8x128xf32>
    %dot_general3A_33 = arith.constant dense<0.000000e+00> : vector<1024x128xf32>
    %dot_general3A_34 = tpu.matmul %get3A_29, %get3A_32, %dot_general3A_33 {dimension_numbers = #tpu.dot_dimension_numbers<[1], [0], [0], [1], [0, 0, 1, 1], [], []>, transpose_lhs_hint = false} : vector<1024x8xf32>, vector<8x128xf32>, vector<1024x128xf32> -> vector<1024x128xf32>
    %sub3A_35 = arith.subf %dot_general3A_26, %dot_general3A_34 : vector<1024x128xf32>
    %get3A_36 = arith.constant 0 : index
    %get3A_37 = arith.constant 0 : index
    %get3A_38 = vector.load %arg10[%get3A_36, %get3A_37] : memref<1x128xf32, #tpu.memory_space<vmem>>, vector<1x128xf32>
    %add3A_39 = vector.broadcast %get3A_38 : vector<1x128xf32> to vector<1024x128xf32>
    %add3A_40 = arith.addf %sub3A_35, %add3A_39 : vector<1024x128xf32>
    %mul3A_41 = vector.broadcast %convert_element_type3A_15 : vector<1024x1xf32> to vector<1024x128xf32>
    %mul3A_42 = arith.mulf %mul3A_41, %add3A_40 : vector<1024x128xf32>
    %get3A_43 = arith.constant 0 : index
    %get3A_44 = arith.constant 0 : index
    %get3A_45 = vector.load %arg7[%get3A_43, %get3A_44] : memref<144x128xf32, #tpu.memory_space<vmem>>, vector<144x128xf32>
    %dot_general3A_46 = arith.constant dense<0.000000e+00> : vector<1024x128xf32>
    %dot_general3A_47 = tpu.matmul %mul3A_16, %get3A_45, %dot_general3A_46 {dimension_numbers = #tpu.dot_dimension_numbers<[1], [0], [0], [1], [0, 0, 1, 1], [], []>, transpose_lhs_hint = false} : vector<1024x144xf32>, vector<144x128xf32>, vector<1024x128xf32> -> vector<1024x128xf32>
    %add3A_48 = arith.addf %mul3A_42, %dot_general3A_47 : vector<1024x128xf32>
    %get3A_49 = arith.constant 0 : index
    %get3A_50 = arith.constant 0 : index
    %get3A_51 = vector.load %arg8[%get3A_49, %get3A_50] : memref<128x128xf32, #tpu.memory_space<vmem>>, vector<128x128xf32>
    %dot_general3A_52 = arith.constant dense<0.000000e+00> : vector<1024x128xf32>
    %dot_general3A_53 = tpu.matmul %get3A_19, %get3A_51, %dot_general3A_52 {dimension_numbers = #tpu.dot_dimension_numbers<[1], [0], [0], [1], [0, 0, 1, 1], [], []>, transpose_lhs_hint = false} : vector<1024x128xf32>, vector<128x128xf32>, vector<1024x128xf32> -> vector<1024x128xf32>
    %get3A_54 = arith.constant 0 : index
    %get3A_55 = arith.constant 0 : index
    %get3A_56 = vector.load %arg9[%get3A_54, %get3A_55] : memref<128x128xf32, #tpu.memory_space<vmem>>, vector<128x128xf32>
    %dot_general3A_57 = arith.constant dense<0.000000e+00> : vector<1024x128xf32>
    %dot_general3A_58 = tpu.matmul %add3A_48, %get3A_56, %dot_general3A_57 {dimension_numbers = #tpu.dot_dimension_numbers<[1], [0], [0], [1], [0, 0, 1, 1], [], []>, transpose_lhs_hint = false} : vector<1024x128xf32>, vector<128x128xf32>, vector<1024x128xf32> -> vector<1024x128xf32>
    %add3A_59 = arith.addf %dot_general3A_53, %dot_general3A_58 : vector<1024x128xf32>
    %get3A_60 = arith.constant 0 : index
    %get3A_61 = arith.constant 0 : index
    %get3A_62 = vector.load %arg11[%get3A_60, %get3A_61] : memref<1x128xf32, #tpu.memory_space<vmem>>, vector<1x128xf32>
    %add3A_63 = vector.broadcast %get3A_62 : vector<1x128xf32> to vector<1024x128xf32>
    %add3A_64 = arith.addf %add3A_59, %add3A_63 : vector<1024x128xf32>
    %swap3A = arith.constant 0 : index
    %swap3A_65 = arith.constant 0 : index
    %swap3A_66 = vector.load %arg12[%swap3A, %swap3A_65] : memref<1024x128xf32, #tpu.memory_space<vmem>>, vector<1024x128xf32>
    tpu.vector_store %arg12[%swap3A, %swap3A_65], %add3A_64 {strides = array<i32>} : memref<1024x128xf32, #tpu.memory_space<vmem>>, vector<1024x128xf32>,
    return
  }
  func.func @transform_0(%arg0: i32) -> (i32, i32, i32) {
    %c0_i32 = arith.constant 0 : i32
    %c0_i32_0 = arith.constant 0 : i32
    %c0_i32_1 = arith.constant 0 : i32
    return %c0_i32, %arg0, %c0_i32_0 : i32, i32, i32
  }
  func.func @transform_1(%arg0: i32) -> (i32, i32) {
    %c0_i32 = arith.constant 0 : i32
    %c0_i32_0 = arith.constant 0 : i32
    return %arg0, %c0_i32 : i32, i32
  }
  func.func @transform_2(%arg0: i32) -> (i32, i32) {
    %c0_i32 = arith.constant 0 : i32
    %c0_i32_0 = arith.constant 0 : i32
    return %arg0, %c0_i32 : i32, i32
  }
  func.func @transform_3(%arg0: i32) -> (i32, i32) {
    %c0_i32 = arith.constant 0 : i32
    %c0_i32_0 = arith.constant 0 : i32
    %c0_i32_1 = arith.constant 0 : i32
    return %c0_i32, %c0_i32_0 : i32, i32
  }
  func.func @transform_4(%arg0: i32) -> (i32, i32) {
    %c0_i32 = arith.constant 0 : i32
    %c0_i32_0 = arith.constant 0 : i32
    %c0_i32_1 = arith.constant 0 : i32
    return %c0_i32, %c0_i32_0 : i32, i32
  }
  func.func @transform_5(%arg0: i32) -> (i32, i32) {
    %c0_i32 = arith.constant 0 : i32
    %c0_i32_0 = arith.constant 0 : i32
    %c0_i32_1 = arith.constant 0 : i32
    return %c0_i32, %c0_i32_0 : i32, i32
  }
  func.func @transform_6(%arg0: i32) -> (i32, i32) {
    %c0_i32 = arith.constant 0 : i32
    %c0_i32_0 = arith.constant 0 : i32
    %c0_i32_1 = arith.constant 0 : i32
    return %c0_i32, %c0_i32_0 : i32, i32
  }
  func.func @transform_7(%arg0: i32) -> (i32, i32) {
    %c0_i32 = arith.constant 0 : i32
    %c0_i32_0 = arith.constant 0 : i32
    %c0_i32_1 = arith.constant 0 : i32
    return %c0_i32, %c0_i32_0 : i32, i32
  }
  func.func @transform_8(%arg0: i32) -> (i32, i32) {
    %c0_i32 = arith.constant 0 : i32
    %c0_i32_0 = arith.constant 0 : i32
    %c0_i32_1 = arith.constant 0 : i32
    return %c0_i32, %c0_i32_0 : i32, i32
  }
  func.func @transform_9(%arg0: i32) -> (i32, i32) {
    %c0_i32 = arith.constant 0 : i32
    %c0_i32_0 = arith.constant 0 : i32
    %c0_i32_1 = arith.constant 0 : i32
    return %c0_i32, %c0_i32_0 : i32, i32
  }
  func.func @transform_10(%arg0: i32) -> (i32, i32) {
    %c0_i32 = arith.constant 0 : i32
    %c0_i32_0 = arith.constant 0 : i32
    %c0_i32_1 = arith.constant 0 : i32
    return %c0_i32, %c0_i32_0 : i32, i32
  }
  func.func @transform_11(%arg0: i32) -> (i32, i32) {
    %c0_i32 = arith.constant 0 : i32
    %c0_i32_0 = arith.constant 0 : i32
    return %arg0, %c0_i32 : i32, i32
  }
}

</mosaic_0001>

<sc_bundles>
// kernel: kernel.4.cloned.1.call-start
scs
__scs_entry_jumppad:
0x0: {  	(pc) =	sbr.rel $0x88, $3  }
0x1: {  	(tag) =	ssettag $0x0;
	lr =	simm.s32 $0x1  }
0x2: {  	[smem:$0x3F9A] =	sst lr;
	_ =	strace $0xD0000000  }
0x3: {  	_ = 	snop  }
0x4: {  	_ = 	snop  }
0x5: {  	_ = 	snop  }
0x6: {  	_ = 	snop  }
0x7: {  	_ = 	snop  }
__scs_overlays_trampoline_lowered:
0x8: {  	[smem:$0x3FA9] =	sst s0  }
0x9: {  	[smem:$0x3FAA] =	sst s1  }
0xa: {  	[smem:$0x3FAB] =	sst s2  }
0xb: {  	[smem:$0x3FAC] =	sst s3  }
0xc: {  	[smem:$0x3FAD] =	sst s4  }
0xd: {  	[smem:$0x3FAE] =	sst s5  }
0xe: {  	[smem:$0x3FAF] =	sst s6  }
0xf: {  	[smem:$0x3FB0] =	sst s7  }
0x10: {  	[smem:$0x3FB1] =	sst s8  }
0x11: {  	[smem:$0x3FB2] =	sst s9;
	s0 =	simm.s32 @!p0 $0x0  }
0x12: {  	s1 =	sld [smem:$0x3F98];
	s0 =	simm.s32 @p0 $0x1  }
0x13: {  	[smem:$0x3FB3] =	sst s0;
	s0 =	simm.s32 @!p1 $0x0  }
0x14: {  	s2 =	sld [smem:$0x3F97];
	s0 =	simm.s32 @p1 $0x1  }
0x15: {  	[smem:$0x3FB4] =	sst s0;
	s0 =	simm.s32 @!p2 $0x0  }
0x16: {  	s3 =	sld [smem:$0x3FDB];
	s0 =	simm.s32 @p2 $0x1  }
0x17: {  	s4 =	simm.s32 $0x1BF5;
	[smem:$0x3FB6] =	sst s0  }
0x18: {  	s0 =	sld [smem:$0x3F99];
	_ =	swait.ge [sflag:s4], $0x0  }
0x19: {  	s7 =	sld [smem:$0x3F9A]  }
0x1a: {  	s8 =	sadd.s32 $0xFFFFE003, lr  }
0x1b: {  	s9 =	sadd.s32 $0xFFFFFEF7, lr;
	s5 =	simm.s32 $0xFFFFFFFF;
	p2 =	slt.u32 s8, $0xFFFFF086  }
0x1c: {  	p1 =	slt.u32 s9, $0xF7A;
	s5 =	simm.s32 @!p2 $0x0  }
0x1d: {  	s5 =	simm.s32 @p1 $0x1;
	p0 =	seq.s32 s7, s2  }
0x1e: {  	s7 =	smul.u32 @!p0 $0xF7A, s2;
	p2 =	seq.s32 @!p0 s5, $0x0  }
0x1f: {  	s9 =	smul.u32 $0xF7A, s1;
	s8 =	simm.s32 @!p0 $0x1BF5;
	p2 =	por !p2, p0  }
0x20: {  	[sflag:s8] =	ssyncset.s32 @!p0 $0xFFFFF086;
	s6 =	sadd.s32 @!p0 s3, s7;
	s7 =	simm.s32 @!p0 $0x108  }
0x21: {  	s3 =	sadd.s32 s3, s9;
	s6 =	sadd.s32 @!p0 $0x88, s6;
	s7 =	simm.s32 @p2 $0x1082  }
0x22: {  	[simem:s7], [sflag:s8] =	dma.local @!p0 [hbm:s6], $0xF7A  }
0x23: {  	s9 =	sor.u32 $0xD0000000, s2;
	s6 =	simm.s32 $0x108;
	_ =	swait.ge @!p0 [sflag:s8], $0x0  }
0x24: {  	s3 =	sadd.s32 $0x88, s3;
	s6 =	simm.s32 @!p1 $0x1082;
	[sflag:s4] =	ssyncset.s32 $0xFFFFF086  }
0x25: {  	[simem:s6], [sflag:s4] =	dma.local [hbm:s3], $0xF7A  }
0x26: {  	[smem:$0x3F9A] =	sst s1;
	(tag) =	ssettag s2;
	_ =	strace s9  }
0x27: {  	s1 =	sld [smem:$0x3FAA]  }
0x28: {  	s2 =	sld [smem:$0x3FAB]  }
0x29: {  	s4 =	sld [smem:$0x3FAD]  }
0x2a: {  	p0 =	seq.s32 s5, $0x0;
	s5 =	sld [smem:$0x3FAE]  }
0x2b: {  	s6 =	sld [smem:$0x3FAF]  }
0x2c: {  	s7 =	sld [smem:$0x3FB0]  }
0x2d: {  	s3 =	simm.s32 $0x108;
	s8 =	sld [smem:$0x3FB1]  }
0x2e: {  	s3 =	simm.s32 @!p0 $0x1082;
	s9 =	sld [smem:$0x3FB2]  }
0x2f: {  	lr =	sadd.s32 s0, s3;
	s0 =	sld [smem:$0x3FA9]  }
0x30: {  	s3 =	sld [smem:$0x3FAC]  }
0x31: {  	[smem:$0x3FB5] =	sst s10  }
0x32: {  	s10 =	sld [smem:$0x3FB3];
	_ =	sdelay $0x3  }
0x33: {  	p0 =	seq.s32 s10, $0x1;
	s10 =	sld [smem:$0x3FB5];
	_ =	sdelay $0x3  }
0x34: {  	[smem:$0x3FB5] =	sst s10  }
0x35: {  	s10 =	sld [smem:$0x3FB4];
	_ =	sdelay $0x3  }
0x36: {  	p1 =	seq.s32 s10, $0x1;
	s10 =	sld [smem:$0x3FB5];
	_ =	sdelay $0x3  }
0x37: {  	[smem:$0x3FB5] =	sst s10  }
0x38: {  	s10 =	sld [smem:$0x3FB6]  }
0x39: {  	_ = 	snop;
	(pc) =	sbr.ind lr, $3  }
0x3a: {  	_ = 	snop  }
0x3b: {  	_ = 	snop  }
0x3c: {  	p2 =	seq.s32 s10, $0x1;
	s10 =	sld [smem:$0x3FB5]  }
0x3d: {  	_ =	shalt  }
0x3e: {  	_ =	shalt  }
0x3f: {  	_ =	shalt  }
0x40: {  	_ =	shalt  }
0x41: {  	_ =	shalt  }
0x42: {  	_ =	shalt  }
0x43: {  	_ =	shalt  }
0x44: {  	_ =	shalt  }
0x45: {  	_ =	shalt  }
0x46: {  	_ =	shalt  }
0x47: {  	_ =	shalt  }
0x48: {  	_ =	shalt  }
0x49: {  	_ =	shalt  }
0x4a: {  	_ =	shalt  }
0x4b: {  	_ =	shalt  }
0x4c: {  	_ =	shalt  }
0x4d: {  	_ =	shalt  }
0x4e: {  	_ =	shalt  }
0x4f: {  	_ =	shalt  }
0x50: {  	_ =	shalt  }
0x51: {  	_ =	shalt  }
0x52: {  	_ =	shalt  }
0x53: {  	_ =	shalt  }
0x54: {  	_ =	shalt  }
0x55: {  	_ =	shalt  }
0x56: {  	_ =	shalt  }
0x57: {  	_ =	shalt  }
0x58: {  	_ =	shalt  }
0x59: {  	_ =	shalt  }
0x5a: {  	_ =	shalt  }
0x5b: {  	_ =	shalt  }
0x5c: {  	_ =	shalt  }
0x5d: {  	_ =	shalt  }
0x5e: {  	_ =	shalt  }
0x5f: {  	_ =	shalt  }
0x60: {  	_ =	shalt  }
0x61: {  	_ =	shalt  }
0x62: {  	_ =	shalt  }
0x63: {  	_ =	shalt  }
0x64: {  	_ =	shalt  }
0x65: {  	_ =	shalt  }
0x66: {  	_ =	shalt  }
0x67: {  	_ =	shalt  }
0x68: {  	_ =	shalt  }
0x69: {  	_ =	shalt  }
0x6a: {  	_ =	shalt  }
0x6b: {  	_ =	shalt  }
0x6c: {  	_ =	shalt  }
0x6d: {  	_ =	shalt  }
0x6e: {  	_ =	shalt  }
0x6f: {  	_ =	shalt  }
0x70: {  	_ =	shalt  }
0x71: {  	_ =	shalt  }
0x72: {  	_ =	shalt  }
0x73: {  	_ =	shalt  }
0x74: {  	_ =	shalt  }
0x75: {  	_ =	shalt  }
0x76: {  	_ =	shalt  }
0x77: {  	_ =	shalt  }
0x78: {  	_ =	shalt  }
0x79: {  	_ =	shalt  }
0x7a: {  	_ =	shalt  }
0x7b: {  	_ =	shalt  }
0x7c: {  	_ =	shalt  }
0x7d: {  	_ =	shalt  }
0x7e: {  	_ =	shalt  }
0x7f: {  	_ =	shalt  }
0x80: {  	_ =	shalt  }
0x81: {  	_ =	shalt  }
0x82: {  	_ =	shalt  }
0x83: {  	_ =	shalt  }
0x84: {  	_ =	shalt  }
0x85: {  	_ =	shalt  }
0x86: {  	_ =	shalt  }
0x87: {  	_ =	shalt  }
.Lfunc_end0:
.L_simem_size_0:
called_computation_lowered:
.L_overlay_start_0:
0x88: {  	s2 =	sld [smem:$0x3FD9]  }
0x89: {  	s3 =	sld [smem:$0x3FFE];
	_ =	sdelay $0x1  }
0x8a: {  	s1 =	srdreg.scid  }
0x8b: {  	s0 =	sand.u32 $0x1, s1  }
0x8c: {  	s17 =	sshll.u32 s0, $0xA;
	s2 =	sadd.s32 s3, s2  }
0x8d: {  	s2 =	sadd.s32 s2, s17  }
0x8e: {  	[smem:$0x3FC1] =	sst s2  }
0x8f: {  	_ = 	snop  }
0x90: {  	s2 =	sld [smem:$0x3FD0];
	(tm) =	ssettm $0x1  }
0x91: {  	s18 =	sld [smem:$0x3FFB];
	_ =	sdelay $0x3  }
0x92: {  	_ =	strace s18  }
0x93: {  	s3 =	sld [smem:$0x3FFC];
	_ =	sdelay $0x3  }
0x94: {  	_ =	strace s3  }
0x95: {  	s3 =	sld [smem:$0x3FFD];
	_ =	sdelay $0x3  }
0x96: {  	_ =	strace s3  }
0x97: {  	_ =	strace $0x8FFFFFFF  }
0x98: {  	s19 =	sld [smem:$0x3FDB];
	_ =	sdelay $0x1  }
0x99: {  	s4 =	simm.s32 $_scs_section_size  }
0x9a: {  	s5 =	simm.s32 $_size__tile_overlayer_lowered;
	s6 =	simm.s32 $_tile_overlayer_lowered  }
0x9b: {  	s22 =	simm.s32 $0x1BFF;
	s21 =	sshll.u32 s6, $0x1;
	s3 =	sadd.s32 s4, s19  }
0x9c: {  	s7 =	simm.s32 $0x0;
	s20 =	sshll.u32 s5, $0x1;
	s5 =	sadd.s32 s21, s3  }
0x9d: {  	[timem:s7], [sflag:s22] =	dma.local [hbm:s5], s20  }
0x9e: {  	_ =	swait.ge [sflag:s22], s20  }
0x9f: {  	s4 =	ssub.s32 $0x0, s20;
	[sflag:s22] =	ssyncset.done $0x0  }
0xa0: {  	[sflag:s22] =	ssyncadd.s32 s4;
	_ =	sdelay $0x1  }
0xa1: {  	s23 =	simm.s32 $0x1B8B  }
0xa2: {  	_ =	swait.ge [sflag:s23], $0x1  }
0xa3: {  	[sflag:s23] =	ssyncset.done $0x0  }
0xa4: {  	s25 =	simm.s32 $0x1B8E;
	s24 =	sld [smem:$0x3FFE];
	[sflag:s23] =	ssyncadd.s32 $0xFFFFFFFF  }
0xa5: {  	s26 =	simm.s32 $execute0_lowered;
	[smem:$0x3FD2] =	sst s25  }
0xa6: {  	s5 =	sshll.u32 s26, $0x1;
	_ =	strace $0x80000046;
	[dreg:$0x1] =	wrdreg $0xFFFFFFFF  }
0xa7: {  	s28 =	simm.s32 $_size_execute0_lowered;
	s3 =	sadd.s32 s3, s5;
	[dreg:$0x0] =	wrdreg $0x0  }
0xa8: {  	s5 =	sshll.u32 s28, $0x1;
	[dreg:$0x2] =	wrdreg s3  }
0xa9: {  	[dreg:$0x3] =	wrdreg s5  }
0xaa: {  	[dreg:$0x4] =	wrdreg $0xC0  }
0xab: {  	_ =	task [dreg:s7], $0x5FFFF  }
0xac: {  	[dreg:$0x1] =	wrdreg $0xFFFFFFFF  }
0xad: {  	[dreg:$0x0] =	wrdreg $0x60  }
0xae: {  	[dreg:$0x2] =	wrdreg s24  }
0xaf: {  	[dreg:$0x3] =	wrdreg s2  }
0xb0: {  	[dreg:$0x4] =	wrdreg $0x9C000  }
0xb1: {  	[dreg:$0x5] =	wrdreg $0x9  }
0xb2: {  	_ =	task.clear_ibuf [dreg:s7], $0x6FFFF;
	_ =	strace $0x90000046  }
0xb3: {  	s29 =	simm.s32 $0x9;
	_ =	strace $0x80000048  }
0xb4: {  	_ =	swait.ge [sflag:s29], $0x1  }
0xb5: {  	[sflag:s29] =	ssyncadd.s32 $0xFFFFFFFF  }
0xb6: {  	_ =	strace $0x90000048  }
0xb7: {  	_ =	sfence  }
0xb8: {  	s30 =	sld [smem:$0x0];
	_ =	sdelay $0x2  }
0xb9: {  	s31 =	sshll.u32 s1, $0xD;
	s1 =	sshrl.u32 s1, $0x2  }
0xba: {  	s3 =	sand.u32 $0x4000, s31;
	s1 =	sadd.s32 s1, s30  }
0xbb: {  	s0 =	sor.u32 s3, s0;
	s1 =	sshll.u32 s1, $0x11  }
0xbc: {  	s0 =	sor.u32 s1, s0  }
0xbd: {  	s0 =	sadd.s32 $0x8F2B, s0  }
0xbe: {  	[sflag:s0] =	ssyncadd.remote.s32 $0x1  }
0xbf: {  	_ =	sfence.sel $0xFFFF  }
0xc0: {  	[dreg:$0x0] =	wrdreg $0xFFFFFFFF;
	(pc) =	sbr.abs _section_cstart, $3  }
0xc1: {  	[dreg:$0x1] =	wrdreg $0xFFFFFFFF  }
0xc2: {  	_ =	task.clear_ibuf [dreg:s7], $0x2FFFF;
	_ =	strace $0x9FFFFFFF  }
0xc3: {  	(tm) =	ssettm $0x7FFFFFFF  }
tec
execute0_lowered:
.L_overlay_start_1:
0x0: {  	(tag) =	ssettag $0x1  }
0x1: {  	s0 =	srdreg.scid;
	s1 =	rddreg [dreg:$0x0]  }
0x2: {  	s11 =	stileid.u32;
	s5 =	rddreg [dreg:$0x1]  }
0x3: {  	s28 =	simm.s32 $0x2;
	s29 =	simm.s32 $0x7800;
	s30 =	simm.s32 $0x0  }
0x4: {  	s0 =	sand.u32 $0x1, s0;
	s9 =	smul.u32 $0x16020, s11;
	s4 =	sadd.s32 $0xB800, s1  }
0x5: {  	s10 =	sadd.s32 $0x37800, s1;
	s2 =	sshll.u32 s0, $0x4;
	s6 =	smul.u32 $0x160200, s0  }
0x6: {  	s19 =	ssub.s32 $0x2, s0;
	p0 =	seq.s32 s0, $0x0;
	s3 =	sor.u32 s11, s2  }
0x7: {  	s2 =	rddreg [dreg:$0x2];
	s20 =	sshrl.u32 s19, $0x1;
	s11 =	smul.u32 $0x58080, s11  }
0x8: {  	s7 =	smul.u32 $0x540, s3;
	s3 =	simm.s32 $0x0;
	s6 =	sadd.s32 s9, s6  }
0x9: {  	s20 =	ssub.s32 s19, s20;
	s9 =	sadd.s32 s9, s2;
	[smem:$0x7FF] =	sst s3  }
0xa: {  	s6 =	sshrl.u32 s6, $0x3;
	s22 =	sshrl.u32 s11, $0x2;
	s20 =	smax.u32 s20, $0x1  }
0xb: {  	_ =	strace $0x80000047;
	s8 =	sadd.s32 s7, s1;
	[dreg:$0x4] =	wrdreg s10  }
0xc: {  	s1 =	sadd.s32 s6, s1;
	s6 =	simm.s32 $0xA8;
	s21 =	sadd.s32 s5, s7  }
0xd: {  	s0 =	sadd.s32 s22, s2;
	s6 =	simm.s32 @!p0 $0x92;
	[dreg:$0x5] =	wrdreg s21  }
0xe: {  	s23 =	sadd.s32 $0x1000, s8;
	s24 =	sadd.s32 $0x2400, s0;
	s25 =	sadd.s32 $0x4800, s0  }
0xf: {  	s26 =	sadd.s32 $0x6C00, s0;
	s13 =	sadd.s32 $0x9000, s0;
	[dreg:$0x6] =	wrdreg s23  }
0x10: {  	s14 =	sadd.s32 $0xB400, s0;
	s15 =	sadd.s32 $0xD800, s0;
	[dreg:$0x7] =	wrdreg s24  }
0x11: {  	s16 =	sadd.s32 $0xFC00, s0;
	s17 =	sadd.s32 $0x12000, s0;
	[dreg:$0x8] =	wrdreg s25  }
0x12: {  	s18 =	sadd.s32 $0x14400, s0;
	s19 =	sadd.s32 $0x37E00, s1;
	[dreg:$0x9] =	wrdreg s26  }
0x13: {  	s31 =	sshrl.u32 s6, $0x1;
	s23 =	simm.s32 $0x5400;
	s24 =	simm.s32 $0x3  }
0x14: {  	s25 =	simm.s32 $0x1;
	s26 =	simm.s32 $0x40;
	s21 =	sadd.s32 $0xFFFFFFFF, s31  }
.LBB2_1:
0x15: {  	s0 =	rddreg [dreg:$0x5]  }
0x16: {  	[tilespmem:s3], [sflag:$0x1] =	stream.linear.gather [hbm4b:s0+s3], $0x2A00, $0x38;
	[tilespmem:$0x1FC20] =	vst v63  }
0x17: {  	s7 =	rddreg [dreg:$0x6];
	s1 =	simm.s32 $0x2A00  }
0x18: {  	[tilespmem:s1], [sflag:$0x2] =	stream.linear.gather [hbm4b:s7+s3], $0x2A00, $0x38;
	[tilespmem:$0x1FC20] =	vst v63  }
0x19: {  	s8 =	rddreg [dreg:$0x4]  }
0x1a: {  	[tilespmem:s23], [sflag:$0x3] =	stream.linear.gather [hbm4b:s8+s3], $0x2400, $0x38;
	[tilespmem:$0x1FC20] =	vst v63  }
0x1b: {  	_ =	swait.ge [sflag:s24], $0x2400  }
0x1c: {  	[sflag:s24] =	ssyncset.done $0x0  }
0x1d: {  	[sflag:s24] =	ssyncadd.s32 $0xFFFFDC00  }
0x1e: {  	_ =	swait.ge [sflag:s25], $0x2A00  }
0x1f: {  	[sflag:s25] =	ssyncset.done $0x0  }
0x20: {  	[sflag:s25] =	ssyncadd.s32 $0xFFFFD600  }
0x21: {  	[spmem:s9] =	stream.linear.scatter [tilespmem:s23], [sflag:$0x1], $0x2400, $0x38;
	[tilespmem:$0x1FC20] =	vst v63  }
0x22: {  	s10 =	rddreg [dreg:$0x7]  }
0x23: {  	[spmem:s10] =	stream.linear.scatter [tilespmem:s23], [sflag:$0x1], $0x2400, $0x38;
	[tilespmem:$0x1FC20] =	vst v63  }
0x24: {  	s11 =	rddreg [dreg:$0x8]  }
0x25: {  	[spmem:s11] =	stream.linear.scatter [tilespmem:s23], [sflag:$0x1], $0x2400, $0x38;
	[tilespmem:$0x1FC20] =	vst v63  }
0x26: {  	s12 =	rddreg [dreg:$0x9]  }
0x27: {  	[spmem:s12] =	stream.linear.scatter [tilespmem:s23], [sflag:$0x1], $0x2400, $0x38;
	[tilespmem:$0x1FC20] =	vst v63  }
0x28: {  	_ = 	snop  }
0x29: {  	[spmem:s13] =	stream.linear.scatter [tilespmem:s23], [sflag:$0x1], $0x2400, $0x38;
	[tilespmem:$0x1FC20] =	vst v63  }
0x2a: {  	_ = 	snop  }
0x2b: {  	[spmem:s14] =	stream.linear.scatter [tilespmem:s23], [sflag:$0x1], $0x2400, $0x38;
	[tilespmem:$0x1FC20] =	vst v63  }
0x2c: {  	_ = 	snop  }
0x2d: {  	[spmem:s15] =	stream.linear.scatter [tilespmem:s23], [sflag:$0x1], $0x2400, $0x38;
	[tilespmem:$0x1FC20] =	vst v63  }
0x2e: {  	_ = 	snop  }
0x2f: {  	[spmem:s16] =	stream.linear.scatter [tilespmem:s23], [sflag:$0x1], $0x2400, $0x38;
	[tilespmem:$0x1FC20] =	vst v63  }
0x30: {  	_ = 	snop  }
0x31: {  	[spmem:s17] =	stream.linear.scatter [tilespmem:s23], [sflag:$0x1], $0x2400, $0x38;
	[tilespmem:$0x1FC20] =	vst v63  }
0x32: {  	_ = 	snop  }
0x33: {  	[spmem:s18] =	stream.linear.scatter [tilespmem:s23], [sflag:$0x1], $0x1C20, $0x38;
	[tilespmem:$0x1FC20] =	vst v63  }
0x34: {  	_ =	swait.ge [sflag:s25], $0x2400  }
0x35: {  	[sflag:s25] =	ssyncset.done $0x0  }
0x36: {  	[sflag:s25] =	ssyncadd.s32 $0xFFFFDC00  }
0x37: {  	_ =	swait.ge [sflag:s25], $0x2400  }
0x38: {  	[sflag:s25] =	ssyncset.done $0x0  }
0x39: {  	[sflag:s25] =	ssyncadd.s32 $0xFFFFDC00  }
0x3a: {  	_ =	swait.ge [sflag:s25], $0x2400  }
0x3b: {  	[sflag:s25] =	ssyncset.done $0x0  }
0x3c: {  	[sflag:s25] =	ssyncadd.s32 $0xFFFFDC00  }
0x3d: {  	_ =	swait.ge [sflag:s25], $0x2400  }
0x3e: {  	[sflag:s25] =	ssyncset.done $0x0  }
0x3f: {  	[sflag:s25] =	ssyncadd.s32 $0xFFFFDC00  }
0x40: {  	_ =	swait.ge [sflag:s25], $0x2400  }
0x41: {  	[sflag:s25] =	ssyncset.done $0x0  }
0x42: {  	[sflag:s25] =	ssyncadd.s32 $0xFFFFDC00  }
0x43: {  	_ =	swait.ge [sflag:s25], $0x2400  }
0x44: {  	[sflag:s25] =	ssyncset.done $0x0  }
0x45: {  	[sflag:s25] =	ssyncadd.s32 $0xFFFFDC00  }
0x46: {  	_ =	swait.ge [sflag:s25], $0x2400  }
0x47: {  	[sflag:s25] =	ssyncset.done $0x0  }
0x48: {  	[sflag:s25] =	ssyncadd.s32 $0xFFFFDC00  }
0x49: {  	_ =	swait.ge [sflag:s25], $0x2400  }
0x4a: {  	[sflag:s25] =	ssyncset.done $0x0  }
0x4b: {  	[sflag:s25] =	ssyncadd.s32 $0xFFFFDC00  }
0x4c: {  	_ =	swait.ge [sflag:s25], $0x2400  }
0x4d: {  	[sflag:s25] =	ssyncset.done $0x0  }
0x4e: {  	[sflag:s25] =	ssyncadd.s32 $0xFFFFDC00  }
0x4f: {  	_ =	swait.ge [sflag:s25], $0x1C20  }
0x50: {  	[sflag:s25] =	ssyncset.done $0x0  }
0x51: {  	[sflag:s25] =	ssyncadd.s32 $0xFFFFE3E0  }
0x52: {  	_ =	swait.ge [sflag:s28], $0x2A00  }
0x53: {  	[sflag:s28] =	ssyncset.done $0x0  }
0x54: {  	[sflag:s28] =	ssyncadd.s32 $0xFFFFD600  }
0x55: {  	[bflag:$0x0] =	sbarrier.arrive $0xFFFF  }
0x56: {  	[tilespmem:s23], [sflag:$0x1] =	stream.indirect.gather [hbm4b:s4+s26], $0x90, s3, s26, $0xb8;
	[tilespmem:$0x1FC20] =	vst v63  }
0x57: {  	p0 =	sle.u32 s6, $0x1;
	_ =	swait.ge [sflag:s25], $0x2400  }
0x58: {  	s0 =	simm.s32 @!p0 $0x40;
	[sflag:s25] =	ssyncset.done $0x0  }
0x59: {  	s5 =	simm.s32 @!p0 $0x7800;
	s1 =	simm.s32 @!p0 $0x40;
	[sflag:s25] =	ssyncadd.s32 $0xFFFFDC00  }
0x5a: {  	[tilespmem:s5], [sflag:$0x2] =	stream.indirect.gather @!p0 [hbm4b:s4+s1], $0x90, s0, s1, $0xb8;
	[tilespmem:$0x1FC20] =	vst v63  }
0x5b: {  	s22 =	simm.s32 $0x2A00  }
0x5c: {  	[spmem:s2] =	stream.indirect.scatter.add.f32 [tilespmem:s23], [sflag:$0x3], $0x90, s22, s26, $0xb8;
	[tilespmem:$0x1FC20] =	vst v63  }
0x5d: {  	_ =	swait.ge [sflag:s24], $0x2400  }
0x5e: {  	[sflag:s24] =	ssyncset.done $0x0  }
0x5f: {  	[sflag:s24] =	ssyncadd.s32 $0xFFFFDC00  }
0x60: {  	s31 =	simm.s32 $0x80;
	_ =	swait.ge [sflag:s28], $0x2400  }
0x61: {  	s7 =	sadd.s32 $0xFFFFFFFF, s21;
	p0 =	sle.u32 s6, $0x2;
	[sflag:s28] =	ssyncset.done $0x0  }
0x62: {  	s0 =	simm.s32 @!p0 $0x40;
	s1 =	simm.s32 @!p0 $0x5400;
	[sflag:s28] =	ssyncadd.s32 $0xFFFFDC00  }
0x63: {  	[tilespmem:s1], [sflag:$0x1] =	stream.indirect.gather @!p0 [hbm4b:s4+s0], $0x90, s31, s0, $0xb8;
	[tilespmem:$0x1FC20] =	vst v63  }
0x64: {  	p0 =	sne.s32 s7, $0x0  }
.Ltmp0:
0x65: {  	_ = 	snop;
	(pc) =	sbr.rel @!p0 .LBB2_3-.Ltmp0, $4  }
0x66: {  	_ = 	snop  }
0x67: {  	s5 =	simm.s32 $0x80;
	s22 =	simm.s32 $0x2A40  }
0x68: {  	[spmem:s2] =	stream.indirect.scatter.add.f32 [tilespmem:s29], [sflag:$0x3], $0x90, s22, s26, $0xb8;
	[tilespmem:$0x1FC20] =	vst v63  }
0x69: {  	s0 =	simm.s32 $0x4;
	s1 =	simm.s32 $0x2AC0;
	_ =	swait.ge [sflag:s24], $0x2400  }
.LBB2_2:
0x6a: {  	s5 =	smov.u32 s31;
	s22 =	smov.u32 s1  }
0x6b: {  	s7 =	sadd.s32 $0xFFFFFFFF, s7;
	s31 =	sadd.s32 $0x80, s31;
	[sflag:s24] =	ssyncset.done $0x0  }
0x6c: {  	s8 =	sadd.s32 $0xFFFFFFFF, s0;
	p0 =	sne.s32 s7, $0x0;
	[sflag:s24] =	ssyncadd.s32 $0xFFFFDC00  }
0x6d: {  	p1 =	sge.u32 s8, s6;
	_ =	swait.ge [sflag:s25], $0x2400  }
0x6e: {  	s8 =	sadd.s32 @!p1 $0xFFFFFFC0, s31;
	s10 =	simm.s32 @!p1 $0x40;
	[sflag:s25] =	ssyncset.done $0x0  }
0x6f: {  	s12 =	sadd.s32 $0xFFFFFFC0, s1;
	s11 =	simm.s32 @!p1 $0x7800;
	[sflag:s25] =	ssyncadd.s32 $0xFFFFDC00  }
0x70: {  	[tilespmem:s11], [sflag:$0x2] =	stream.indirect.gather @!p1 [hbm4b:s4+s10], $0x90, s8, s10, $0xb8;
	[tilespmem:$0x1FC20] =	vst v63  }
0x71: {  	_ = 	snop  }
0x72: {  	[spmem:s2] =	stream.indirect.scatter.add.f32 [tilespmem:s23], [sflag:$0x3], $0x90, s12, s26, $0xb8;
	[tilespmem:$0x1FC20] =	vst v63  }
0x73: {  	_ =	swait.ge [sflag:s24], $0x2400  }
0x74: {  	[sflag:s24] =	ssyncset.done $0x0  }
0x75: {  	[sflag:s24] =	ssyncadd.s32 $0xFFFFDC00  }
0x76: {  	p1 =	sge.u32 s0, s6;
	_ =	swait.ge [sflag:s28], $0x2400  }
0x77: {  	s8 =	simm.s32 @!p1 $0x40;
	s10 =	simm.s32 @!p1 $0x5400;
	[sflag:s28] =	ssyncset.done $0x0  }
.Ltmp1:
0x78: {  	[sflag:s28] =	ssyncadd.s32 $0xFFFFDC00;
	(pc) =	sbr.rel @p0 .LBB2_2-.Ltmp1, $4  }
0x79: {  	[tilespmem:s10], [sflag:$0x1] =	stream.indirect.gather @!p1 [hbm4b:s4+s8], $0x90, s31, s8, $0xb8;
	[tilespmem:$0x1FC20] =	vst v63  }
0x7a: {  	_ = 	snop  }
0x7b: {  	[spmem:s2] =	stream.indirect.scatter.add.f32 [tilespmem:s29], [sflag:$0x3], $0x90, s1, s26, $0xb8;
	[tilespmem:$0x1FC20] =	vst v63  }
0x7c: {  	s0 =	sadd.s32 $0x2, s0;
	s1 =	sadd.s32 $0x80, s1;
	_ =	swait.ge [sflag:s24], $0x2400  }
.LBB2_3:
0x7d: {  	[sflag:s24] =	ssyncset.done $0x0  }
0x7e: {  	s7 =	sadd.s32 $0xFFFFFFFF, s0;
	[sflag:s24] =	ssyncadd.s32 $0xFFFFDC00  }
0x7f: {  	p0 =	sge.u32 s7, s6;
	_ =	swait.ge [sflag:s25], $0x2400  }
0x80: {  	s5 =	sadd.s32 @!p0 $0x40, s5;
	[sflag:s25] =	ssyncset.done $0x0  }
0x81: {  	s7 =	simm.s32 @!p0 $0x40;
	s8 =	simm.s32 @!p0 $0x7800;
	[sflag:s25] =	ssyncadd.s32 $0xFFFFDC00  }
0x82: {  	[tilespmem:s8], [sflag:$0x2] =	stream.indirect.gather @!p0 [hbm4b:s4+s7], $0x90, s5, s7, $0xb8;
	[tilespmem:$0x1FC20] =	vst v63  }
0x83: {  	s12 =	sadd.s32 $0x40, s22  }
0x84: {  	[spmem:s2] =	stream.indirect.scatter.add.f32 [tilespmem:s23], [sflag:$0x3], $0x90, s12, s26, $0xb8;
	[tilespmem:$0x1FC20] =	vst v63  }
0x85: {  	_ =	swait.ge [sflag:s24], $0x2400  }
0x86: {  	[sflag:s24] =	ssyncset.done $0x0  }
0x87: {  	[sflag:s24] =	ssyncadd.s32 $0xFFFFDC00  }
0x88: {  	_ =	swait.ge [sflag:s28], $0x2400  }
0x89: {  	s5 =	sadd.s32 $0x80, s31;
	p0 =	sge.u32 s0, s6;
	[sflag:s28] =	ssyncset.done $0x0  }
0x8a: {  	s0 =	simm.s32 @!p0 $0x40;
	s7 =	simm.s32 @!p0 $0x5400;
	[sflag:s28] =	ssyncadd.s32 $0xFFFFDC00  }
0x8b: {  	[tilespmem:s7], [sflag:$0x1] =	stream.indirect.gather @!p0 [hbm4b:s4+s0], $0x90, s5, s0, $0xb8;
	[tilespmem:$0x1FC20] =	vst v63  }
0x8c: {  	_ = 	snop  }
0x8d: {  	[spmem:s2] =	stream.indirect.scatter.add.f32 [tilespmem:s29], [sflag:$0x3], $0x90, s1, s26, $0xb8;
	[tilespmem:$0x1FC20] =	vst v63  }
0x8e: {  	s22 =	stileid.u32;
	_ =	swait.ge [sflag:s24], $0x2400  }
0x8f: {  	s30 =	sadd.s32 $0x1, s30;
	s31 =	sshrl.u32 s9, $0x3;
	[sflag:s24] =	ssyncset.done $0x0  }
0x90: {  	s0 =	sshll.u32 s22, $0x6;
	p0 =	sne.s32 s30, s20;
	[sflag:s24] =	ssyncadd.s32 $0xFFFFDC00  }
.Ltmp2:
0x91: {  	s0 =	sor.u32 $0x1C03, s0;
	[bflag:$0x0] =	sbarrier.arrive $0xFFFF;
	(pc) =	sbr.rel @p0 .LBB2_1-.Ltmp2, $4  }
0x92: {  	[hbm:s19], [sflag:s0] =	dma.local [spmem:s31], $0x2C04  }
0x93: {  	_ =	swait.ge [sflag:s24], $0x2C04  }
0x94: {  	[sflag:s24] =	ssyncset.done $0x0  }
0x95: {  	[sflag:s24] =	ssyncadd.s32 $0xFFFFD3FC  }
0x96: {  	_ =	sfence.sel $0x180000  }
0x97: {  	[bflag:$0x0] =	sbarrier.arrive $0xFFFF  }
0x98: {  	_ =	strace $0x90000047  }
0x99: {  	s0 =	stileid.u32;
	[bflag:$0x2] =	sbarrier.arrive $0xFFFF  }
0x9a: {  	p0 =	sne.s32 s0, $0x0;
	s0 =	rddreg [dreg:$0x3]  }
0x9b: {  	s0 =	sadd.s32 @!p0 $0x100000, s0  }
0x9c: {  	[sflag:s0] =	ssyncadd.tile.s32 @!p0 $0x1;
	_ =	shalt  }
.Lfunc_end2:
_tile_overlayer_lowered:
.L_overlay_start_2:
0x9d: {  	(tag) =	ssettag $0x2  }
0x9e: {  	s0 =	rddreg [dreg:$0x0];
	s2 =	stileid.u32  }
0x9f: {  	s1 =	rddreg [dreg:$0x1];
	p0 =	sne.s32 s2, $0x0  }
0xa0: {  	s3 =	rddreg [dreg:$0x2];
	[bflag:$0x3] =	sbarrier.arrive $0xFFFF;
	s2 =	simm.s32 @!p0 $0x1C03  }
0xa1: {  	[timem:s3], [sflag:s2] =	dma.local @!p0 [hbm:s0], s1  }
0xa2: {  	s0 =	simm.s32 @!p0 $0x3  }
0xa3: {  	_ =	swait.ge @!p0 [sflag:s0], s1  }
0xa4: {  	s1 =	ssub.s32 @!p0 $0x0, s1;
	[sflag:s0] =	ssyncset.done @!p0 $0x0  }
0xa5: {  	[sflag:s0] =	ssyncadd.s32 @!p0 s1  }
0xa6: {  	[bflag:$0x3] =	sbarrier.arrive $0xFFFF  }
0xa7: {  	_ =	shalt  }

</sc_bundles>
